<compile_context>
chip_gen: v7x
topology: tpu7x:2x2x1
jax: 0.10.2.dev20260603
libtpu: 0.0.44.dev20260713+nightly
codegen_flags: <defaults>
</compile_context>

<pallas_src>
import functools

import jax
import jax.numpy as jnp
from jax import lax
from jax.experimental import pallas as pl
from jax.experimental.pallas import tpu as pltpu
from jax.experimental.pallas import tpu_sc as plsc

VOCAB = 1000
DIM = 64
SENT = 50
B = 4096
OUT = SENT + 1
WPR = DIM // 2
VCHUNK = 64

try:
    _info = plsc.get_sparse_core_info()
    _NC, _NS, _L = _info.num_cores, _info.num_subcores, _info.num_lanes
except Exception:
    _NC, _NS, _L = 2, 16, 16

NW = _NC * _NS
BPW = B // NW
NBG = BPW // _L

_mesh = plsc.VectorSubcoreMesh(
    core_axis_name="c", subcore_axis_name="s",
    num_cores=_NC, num_subcores=_NS,
)

_TGROUPS = [(0, range(_L)), (_L, range(_L)), (2 * _L, range(_L)),
            (3 * _L, range(SENT - 3 * _L))]


@functools.partial(
    pl.kernel,
    out_type=jax.ShapeDtypeStruct((B, DIM), jnp.float32),
    mesh=_mesh,
    scratch_types=[
        pltpu.VMEM((VOCAB * WPR,), jnp.int32),
        pltpu.VMEM((VCHUNK, DIM), jnp.float32),
        pltpu.VMEM((VCHUNK * WPR,), jnp.int32),
        pltpu.VMEM((SENT, BPW), jnp.int32),
        pltpu.VMEM((BPW * (SENT + 1) + _L,), jnp.int32),
        pltpu.VMEM((BPW, DIM), jnp.float32),
        pltpu.VMEM_SHARED((VOCAB * WPR,), jnp.int32),
        pltpu.SemaphoreType.DMA,
    ],
    compiler_params=pltpu.CompilerParams(needs_layout_passes=False),
)
def _sc_pool(emb_hbm, xt_hbm, out_hbm, table_v, stage_v, slice_v,
             idxt_v, idx_v, pool_v, spk_v, sem):
    s = lax.axis_index("s")
    w = s * _NC + lax.axis_index("c")
    idx_cp = pltpu.async_copy(xt_hbm.at[:, pl.ds(w * BPW, BPW)], idxt_v, sem)

    start = jnp.minimum(s * VCHUNK, VOCAB - VCHUNK)
    pltpu.sync_copy(emb_hbm.at[pl.ds(start, VCHUNK)], stage_v)

    def pack_row(r, carry):
        vs = [stage_v[r, pl.ds(k * _L, _L)] for k in range(4)]
        for k in range(2):
            pk = plsc.bitcast(
                plsc.pack(vs[2 * k], vs[2 * k + 1],
                          format=plsc.PackFormat.INTERLEAVED),
                jnp.int32)
            slice_v[pl.ds(r * WPR + k * _L, _L)] = pk
        return carry

    lax.fori_loop(0, VCHUNK, pack_row, jnp.int32(0))
    pltpu.sync_copy(slice_v, spk_v.at[pl.ds(start * WPR, VCHUNK * WPR)])

    plsc.subcore_barrier()
    table_cp = pltpu.async_copy(spk_v, table_v, sem)

    idx_cp.wait()
    srow = SENT + 1
    giota = [(lax.iota(jnp.int32, _L) + g * _L) * srow for g in range(NBG)]

    def tr_body(t, carry):
        for g in range(NBG):
            v = idxt_v[t, pl.ds(g * _L, _L)]
            plsc.store_scatter(idx_v, [giota[g] + t], v)
        return carry

    lax.fori_loop(0, SENT, tr_body, jnp.int32(0))
    table_cp.wait()

    def accum(b):
        accs = [jnp.zeros((_L,), jnp.float32) for _ in range(4)]
        for off, js in _TGROUPS:
            toks = idx_v[pl.ds(b * srow + off, _L)]
            for j in js:
                base = toks[j] * WPR
                for k in range(2):
                    v = table_v[pl.ds(base + k * _L, _L)]
                    lo = lax.bitcast_convert_type(v << 16, jnp.float32)
                    hi = lax.bitcast_convert_type(v, jnp.float32)
                    accs[2 * k] = accs[2 * k] + lo
                    accs[2 * k + 1] = accs[2 * k + 1] + hi
        return accs

    def body(b, carry):
        accs = accum(b)
        for k in range(4):
            pool_v[b, pl.ds(k * _L, _L)] = accs[k]
        return carry

    lax.fori_loop(0, BPW, body, jnp.int32(0))
    pltpu.sync_copy(pool_v, out_hbm.at[pl.ds(w * BPW, BPW)])


def _head_body(p_ref, w_ref, b_ref, o_ref):
    logits = lax.dot_general(
        w_ref[...], p_ref[...], (((1,), (1,)), ((), ())),
        preferred_element_type=jnp.float32)
    logits = logits * (1.0 / SENT) + b_ref[...]
    m = jnp.max(logits, axis=0, keepdims=True)
    e = jnp.exp(logits - m)
    o_ref[...] = e * (1.0 / jnp.sum(e, axis=0, keepdims=True))


_HB = B // 2
_head = pl.pallas_call(
    _head_body,
    grid=(B // _HB,),
    in_specs=[
        pl.BlockSpec((_HB, DIM), lambda i: (i, 0)),
        pl.BlockSpec((OUT, DIM), lambda i: (0, 0)),
        pl.BlockSpec((OUT, 1), lambda i: (0, 0)),
    ],
    out_specs=pl.BlockSpec((OUT, _HB), lambda i: (0, i)),
    out_shape=jax.ShapeDtypeStruct((OUT, B), jnp.float32),
)


def kernel(x, emb, W, b):
    pooled_sum = _sc_pool(emb.astype(jnp.float32), x.astype(jnp.int32).T)
    return _head(pooled_sum, W.astype(jnp.float32), b.reshape(OUT, 1)).T

# --- scband reference (transcript-rebuilt; emitter-appended) ---
"""Pipeline reference for scband-char-position-model-23416161698452 (READ-ONLY COPY).

The authoritative reference and input builder live on the scoring server;
editing this copy changes nothing except your own understanding.
"""

import jax, jax.numpy as jnp
import numpy as np

VOCAB = 1000
DIM = 64
SENT = 50
B = 4096
OUT = SENT + 1


def setup_inputs(seed: int = 0) -> dict:
    key = jax.random.key(seed)
    k1, k2, k3 = jax.random.split(key, 3)
    x = jax.random.randint(k1, (B, SENT), 0, VOCAB)
    emb = jax.random.normal(k2, (VOCAB, DIM), dtype=jnp.float32)
    emb = emb.at[0].set(0.0)  # padding_idx=0 row is zero
    W = jax.random.normal(k3, (OUT, DIM), dtype=jnp.float32) * 0.05
    b = jnp.zeros((OUT,), dtype=jnp.float32)
    return {"x": x, "emb": emb, "W": W, "b": b}


def reference(x, emb, W, b):
    # nn.Embedding lookup
    e = jnp.take(emb, x, axis=0)            # [B, SENT, DIM]
    # transpose(1,2) + AdaptiveAvgPool1d(1) + squeeze == mean over sequence dim
    pooled = jnp.mean(e, axis=1)            # [B, DIM]
    # nn.Linear
    logits = pooled @ W.T + b               # [B, SENT+1]
    # y is None -> softmax over last dim
    return jax.nn.softmax(logits, axis=-1)

if __name__ == "__main__":
    import jax
    _d = setup_inputs()
    print(jax.jit(kernel)(*tuple(_d.values())))

</pallas_src>

<mosaic_0001>
#map = affine_map<(d0, d1) -> (0, 0)>
module attributes {stable_mosaic.version = 14 : i64} {
  func.func @_sc_pool(%arg0: i32, %arg1: i32, %arg2: memref<1000x64xf32, #tpu.memory_space<hbm>>, %arg3: memref<50x4096xi32, #tpu.memory_space<hbm>>, %arg4: memref<4096x64xf32, #tpu.memory_space<hbm>>, %arg5: memref<32000xi32, #tpu.memory_space<vmem>>, %arg6: memref<64x64xf32, #tpu.memory_space<vmem>>, %arg7: memref<2048xi32, #tpu.memory_space<vmem>>, %arg8: memref<50x128xi32, #tpu.memory_space<vmem>>, %arg9: memref<6544xi32, #tpu.memory_space<vmem>>, %arg10: memref<128x64xf32, #tpu.memory_space<vmem>>, %arg11: memref<32000xi32, #tpu.memory_space<vmem_shared>>, %arg12: memref<!tpu.dma_semaphore, #tpu.memory_space<semaphore_mem>>) attributes {dimension_semantics = [#tpu.dimension_semantics<core_parallel>, #tpu.dimension_semantics<subcore_parallel>], iteration_bounds = array<i64: 2, 16>, scalar_prefetch = 0 : i64, scratch_operands = 8 : i64, tpu.core_type = #tpu.core_type<sc_vector_subcore>, window_params = [{transform_indices = #map}, {transform_indices = #map}, {transform_indices = #map}]} {
    %mul3A = arith.constant 2 : i32
    %mul3A_0 = arith.muli %arg1, %mul3A : i32
    %add3A = arith.addi %mul3A_0, %arg0 : i32
    %mul3A_1 = arith.constant 128 : i32
    %mul3A_2 = arith.muli %add3A, %mul3A_1 : i32
    %dma_start3A = arith.constant 0 : i32
    %dma_start3A_3 = tpu.memref_slice %arg3[%dma_start3A, %mul3A_2] : memref<50x4096xi32, #tpu.memory_space<hbm>> -> memref<50x128xi32, #tpu.memory_space<hbm>>
    %dma_start3A_4 = arith.constant 0 : i32
    %dma_start3A_5 = tpu.memref_slice %arg3[%dma_start3A_4, %mul3A_2] : memref<50x4096xi32, #tpu.memory_space<hbm>> -> memref<50x128xi32, #tpu.memory_space<hbm>>
    tpu.enqueue_dma source(%dma_start3A_5 : memref<50x128xi32, #tpu.memory_space<hbm>>) target(%arg8 : memref<50x128xi32, #tpu.memory_space<vmem>>) target_semaphore(%arg12 : memref<!tpu.dma_semaphore, #tpu.memory_space<semaphore_mem>>)
    %mul3A_6 = arith.constant 64 : i32
    %mul3A_7 = arith.muli %arg1, %mul3A_6 : i32
    %min3A = arith.constant 936 : i32
    %min3A_8 = arith.minsi %mul3A_7, %min3A : i32
    "tpu.region"() ({
      %run_scoped3A = tpu.sem_alloc : memref<!tpu.dma_semaphore, #tpu.memory_space<semaphore_mem>>
      %dma_start3A_88 = arith.constant 0 : i32
      %dma_start3A_89 = tpu.memref_slice %arg2[%min3A_8, %dma_start3A_88] : memref<1000x64xf32, #tpu.memory_space<hbm>> -> memref<64x64xf32, #tpu.memory_space<hbm>>
      %dma_start3A_90 = arith.constant 0 : i32
      %dma_start3A_91 = tpu.memref_slice %arg2[%min3A_8, %dma_start3A_90] : memref<1000x64xf32, #tpu.memory_space<hbm>> -> memref<64x64xf32, #tpu.memory_space<hbm>>
      tpu.enqueue_dma source(%dma_start3A_91 : memref<64x64xf32, #tpu.memory_space<hbm>>) target(%arg6 : memref<64x64xf32, #tpu.memory_space<vmem>>) target_semaphore(%run_scoped3A : memref<!tpu.dma_semaphore, #tpu.memory_space<semaphore_mem>>)
      %dma_wait3A_92 = arith.constant 0 : i32
      %dma_wait3A_93 = tpu.memref_slice %arg2[%min3A_8, %dma_wait3A_92] : memref<1000x64xf32, #tpu.memory_space<hbm>> -> memref<64x64xf32, #tpu.memory_space<hbm>>
      %dma_wait3A_94 = arith.constant 0 : i32
      %dma_wait3A_95 = tpu.memref_slice %arg2[%min3A_8, %dma_wait3A_94] : memref<1000x64xf32, #tpu.memory_space<hbm>> -> memref<64x64xf32, #tpu.memory_space<hbm>>
      tpu.wait_dma2 semaphore(%run_scoped3A : memref<!tpu.dma_semaphore, #tpu.memory_space<semaphore_mem>>) src(%dma_wait3A_95 : memref<64x64xf32, #tpu.memory_space<hbm>>) dst(%arg6 : memref<64x64xf32, #tpu.memory_space<vmem>>)
      tpu.yield
    }) : () -> ()
    %scan3A = arith.constant 0 : i32
    %scan3A_9 = arith.constant 0 : i32
    %scan3A_10 = arith.constant 64 : i32
    %scan3A_11 = arith.addi %scan3A_9, %scan3A_10 : i32
    %scan3A_12 = arith.constant 1 : i32
    scf.for %scan3A_88 = %scan3A_9 to %scan3A_11 step %scan3A_12  : i32 {
      %get3A = arith.index_cast %scan3A_88 : i32 to index
      %get3A_89 = arith.constant 0 : index
      %get3A_90 = tpu.vector_load %arg6[%get3A, %get3A_89] {strides = array<i32>} : memref<64x64xf32, #tpu.memory_space<vmem>>, vector<16xf32>,
      %get3A_91 = arith.index_cast %scan3A_88 : i32 to index
      %get3A_92 = arith.constant 16 : index
      %get3A_93 = tpu.vector_load %arg6[%get3A_91, %get3A_92] {strides = array<i32>} : memref<64x64xf32, #tpu.memory_space<vmem>>, vector<16xf32>,
      %get3A_94 = arith.index_cast %scan3A_88 : i32 to index
      %get3A_95 = arith.constant 32 : index
      %get3A_96 = tpu.vector_load %arg6[%get3A_94, %get3A_95] {strides = array<i32>} : memref<64x64xf32, #tpu.memory_space<vmem>>, vector<16xf32>,
      %get3A_97 = arith.index_cast %scan3A_88 : i32 to index
      %get3A_98 = arith.constant 48 : index
      %get3A_99 = tpu.vector_load %arg6[%get3A_97, %get3A_98] {strides = array<i32>} : memref<64x64xf32, #tpu.memory_space<vmem>>, vector<16xf32>,
      %pack3A = tpu.pack_subelements %get3A_90, %get3A_93 {pack_format = #tpu.pack_format<interleaved>, positions = array<i32: 0, 1>} : vector<16xf32>, vector<16xf32> -> vector<32xbf16>
      %bitcast3A = vector.bitcast %pack3A : vector<32xbf16> to vector<16xi32>
      %mul3A_100 = arith.constant 32 : i32
      %mul3A_101 = arith.muli %scan3A_88, %mul3A_100 : i32
      %add3A_102 = arith.constant 0 : i32
      %add3A_103 = arith.addi %mul3A_101, %add3A_102 : i32
      %swap3A = arith.index_cast %add3A_103 : i32 to index
      %swap3A_104 = tpu.vector_load %arg7[%swap3A] {strides = array<i32>} : memref<2048xi32, #tpu.memory_space<vmem>>, vector<16xi32>,
      tpu.vector_store %arg7[%swap3A], %bitcast3A {strides = array<i32>} : memref<2048xi32, #tpu.memory_space<vmem>>, vector<16xi32>,
      %pack3A_105 = tpu.pack_subelements %get3A_96, %get3A_99 {pack_format = #tpu.pack_format<interleaved>, positions = array<i32: 0, 1>} : vector<16xf32>, vector<16xf32> -> vector<32xbf16>
      %bitcast3A_106 = vector.bitcast %pack3A_105 : vector<32xbf16> to vector<16xi32>
      %mul3A_107 = arith.constant 32 : i32
      %mul3A_108 = arith.muli %scan3A_88, %mul3A_107 : i32
      %add3A_109 = arith.constant 16 : i32
      %add3A_110 = arith.addi %mul3A_108, %add3A_109 : i32
      %swap3A_111 = arith.index_cast %add3A_110 : i32 to index
      %swap3A_112 = tpu.vector_load %arg7[%swap3A_111] {strides = array<i32>} : memref<2048xi32, #tpu.memory_space<vmem>>, vector<16xi32>,
      tpu.vector_store %arg7[%swap3A_111], %bitcast3A_106 {strides = array<i32>} : memref<2048xi32, #tpu.memory_space<vmem>>, vector<16xi32>,
    }
    %scan3A_13 = arith.constant 64 : i32
    %mul3A_14 = arith.constant 32 : i32
    %mul3A_15 = arith.muli %min3A_8, %mul3A_14 : i32
    "tpu.region"() ({
      %run_scoped3A = tpu.sem_alloc : memref<!tpu.dma_semaphore, #tpu.memory_space<semaphore_mem>>
      %dma_start3A_88 = tpu.memref_slice %arg11[%mul3A_15] : memref<32000xi32, #tpu.memory_space<vmem_shared>> -> memref<2048xi32, #tpu.memory_space<vmem_shared>>
      %dma_start3A_89 = tpu.memref_slice %arg11[%mul3A_15] : memref<32000xi32, #tpu.memory_space<vmem_shared>> -> memref<2048xi32, #tpu.memory_space<vmem_shared>>
      tpu.enqueue_dma source(%arg7 : memref<2048xi32, #tpu.memory_space<vmem>>) target(%dma_start3A_89 : memref<2048xi32, #tpu.memory_space<vmem_shared>>) target_semaphore(%run_scoped3A : memref<!tpu.dma_semaphore, #tpu.memory_space<semaphore_mem>>)
      %dma_wait3A_90 = tpu.memref_slice %arg11[%mul3A_15] : memref<32000xi32, #tpu.memory_space<vmem_shared>> -> memref<2048xi32, #tpu.memory_space<vmem_shared>>
      %dma_wait3A_91 = tpu.memref_slice %arg11[%mul3A_15] : memref<32000xi32, #tpu.memory_space<vmem_shared>> -> memref<2048xi32, #tpu.memory_space<vmem_shared>>
      tpu.wait_dma2 semaphore(%run_scoped3A : memref<!tpu.dma_semaphore, #tpu.memory_space<semaphore_mem>>) src(%arg7 : memref<2048xi32, #tpu.memory_space<vmem>>) dst(%dma_wait3A_91 : memref<2048xi32, #tpu.memory_space<vmem_shared>>)
      tpu.yield
    }) : () -> ()
    %barrier3A = arith.constant 0 : index
    tpu.barrier barrier_id(%barrier3A)
    tpu.enqueue_dma source(%arg11 : memref<32000xi32, #tpu.memory_space<vmem_shared>>) target(%arg5 : memref<32000xi32, #tpu.memory_space<vmem>>) target_semaphore(%arg12 : memref<!tpu.dma_semaphore, #tpu.memory_space<semaphore_mem>>)
    %dma_wait3A = arith.constant 0 : i32
    %dma_wait3A_16 = tpu.memref_slice %arg3[%dma_wait3A, %mul3A_2] : memref<50x4096xi32, #tpu.memory_space<hbm>> -> memref<50x128xi32, #tpu.memory_space<hbm>>
    %dma_wait3A_17 = arith.constant 0 : i32
    %dma_wait3A_18 = tpu.memref_slice %arg3[%dma_wait3A_17, %mul3A_2] : memref<50x4096xi32, #tpu.memory_space<hbm>> -> memref<50x128xi32, #tpu.memory_space<hbm>>
    tpu.wait_dma2 semaphore(%arg12 : memref<!tpu.dma_semaphore, #tpu.memory_space<semaphore_mem>>) src(%dma_wait3A_18 : memref<50x128xi32, #tpu.memory_space<hbm>>) dst(%arg8 : memref<50x128xi32, #tpu.memory_space<vmem>>)
    %iota3A = tpu.iota {dimensions = array<i32: 0>} : vector<16xi32>
    %add3A_19 = arith.constant 0 : i32
    %add3A_20 = vector.broadcast %add3A_19 : i32 to vector<16xi32>
    %add3A_21 = arith.addi %iota3A, %add3A_20 : vector<16xi32>
    %mul3A_22 = arith.constant 51 : i32
    %mul3A_23 = vector.broadcast %mul3A_22 : i32 to vector<16xi32>
    %mul3A_24 = arith.muli %add3A_21, %mul3A_23 : vector<16xi32>
    %iota3A_25 = tpu.iota {dimensions = array<i32: 0>} : vector<16xi32>
    %add3A_26 = arith.constant 16 : i32
    %add3A_27 = vector.broadcast %add3A_26 : i32 to vector<16xi32>
    %add3A_28 = arith.addi %iota3A_25, %add3A_27 : vector<16xi32>
    %mul3A_29 = arith.constant 51 : i32
    %mul3A_30 = vector.broadcast %mul3A_29 : i32 to vector<16xi32>
    %mul3A_31 = arith.muli %add3A_28, %mul3A_30 : vector<16xi32>
    %iota3A_32 = tpu.iota {dimensions = array<i32: 0>} : vector<16xi32>
    %add3A_33 = arith.constant 32 : i32
    %add3A_34 = vector.broadcast %add3A_33 : i32 to vector<16xi32>
    %add3A_35 = arith.addi %iota3A_32, %add3A_34 : vector<16xi32>
    %mul3A_36 = arith.constant 51 : i32
    %mul3A_37 = vector.broadcast %mul3A_36 : i32 to vector<16xi32>
    %mul3A_38 = arith.muli %add3A_35, %mul3A_37 : vector<16xi32>
    %iota3A_39 = tpu.iota {dimensions = array<i32: 0>} : vector<16xi32>
    %add3A_40 = arith.constant 48 : i32
    %add3A_41 = vector.broadcast %add3A_40 : i32 to vector<16xi32>
    %add3A_42 = arith.addi %iota3A_39, %add3A_41 : vector<16xi32>
    %mul3A_43 = arith.constant 51 : i32
    %mul3A_44 = vector.broadcast %mul3A_43 : i32 to vector<16xi32>
    %mul3A_45 = arith.muli %add3A_42, %mul3A_44 : vector<16xi32>
    %iota3A_46 = tpu.iota {dimensions = array<i32: 0>} : vector<16xi32>
    %add3A_47 = arith.constant 64 : i32
    %add3A_48 = vector.broadcast %add3A_47 : i32 to vector<16xi32>
    %add3A_49 = arith.addi %iota3A_46, %add3A_48 : vector<16xi32>
    %mul3A_50 = arith.constant 51 : i32
    %mul3A_51 = vector.broadcast %mul3A_50 : i32 to vector<16xi32>
    %mul3A_52 = arith.muli %add3A_49, %mul3A_51 : vector<16xi32>
    %iota3A_53 = tpu.iota {dimensions = array<i32: 0>} : vector<16xi32>
    %add3A_54 = arith.constant 80 : i32
    %add3A_55 = vector.broadcast %add3A_54 : i32 to vector<16xi32>
    %add3A_56 = arith.addi %iota3A_53, %add3A_55 : vector<16xi32>
    %mul3A_57 = arith.constant 51 : i32
    %mul3A_58 = vector.broadcast %mul3A_57 : i32 to vector<16xi32>
    %mul3A_59 = arith.muli %add3A_56, %mul3A_58 : vector<16xi32>
    %iota3A_60 = tpu.iota {dimensions = array<i32: 0>} : vector<16xi32>
    %add3A_61 = arith.constant 96 : i32
    %add3A_62 = vector.broadcast %add3A_61 : i32 to vector<16xi32>
    %add3A_63 = arith.addi %iota3A_60, %add3A_62 : vector<16xi32>
    %mul3A_64 = arith.constant 51 : i32
    %mul3A_65 = vector.broadcast %mul3A_64 : i32 to vector<16xi32>
    %mul3A_66 = arith.muli %add3A_63, %mul3A_65 : vector<16xi32>
    %iota3A_67 = tpu.iota {dimensions = array<i32: 0>} : vector<16xi32>
    %add3A_68 = arith.constant 112 : i32
    %add3A_69 = vector.broadcast %add3A_68 : i32 to vector<16xi32>
    %add3A_70 = arith.addi %iota3A_67, %add3A_69 : vector<16xi32>
    %mul3A_71 = arith.constant 51 : i32
    %mul3A_72 = vector.broadcast %mul3A_71 : i32 to vector<16xi32>
    %mul3A_73 = arith.muli %add3A_70, %mul3A_72 : vector<16xi32>
    %scan3A_74 = arith.constant 0 : i32
    %scan3A_75 = arith.constant 0 : i32
    %scan3A_76 = arith.constant 50 : i32
    %scan3A_77 = arith.addi %scan3A_75, %scan3A_76 : i32
    %scan3A_78 = arith.constant 1 : i32
    scf.for %scan3A_88 = %scan3A_75 to %scan3A_77 step %scan3A_78  : i32 {
      %get3A = arith.index_cast %scan3A_88 : i32 to index
      %get3A_89 = arith.constant 0 : index
      %get3A_90 = tpu.vector_load %arg8[%get3A, %get3A_89] {strides = array<i32>} : memref<50x128xi32, #tpu.memory_space<vmem>>, vector<16xi32>,
      %add3A_91 = vector.broadcast %scan3A_88 : i32 to vector<16xi32>
      %add3A_92 = arith.addi %mul3A_24, %add3A_91 : vector<16xi32>
      tpu.vector_store_idx %arg9[%add3A_92], %get3A_90 : memref<6544xi32, #tpu.memory_space<vmem>>[vector<16xi32>], vector<16xi32>,
      %get3A_93 = arith.index_cast %scan3A_88 : i32 to index
      %get3A_94 = arith.constant 16 : index
      %get3A_95 = tpu.vector_load %arg8[%get3A_93, %get3A_94] {strides = array<i32>} : memref<50x128xi32, #tpu.memory_space<vmem>>, vector<16xi32>,
      %add3A_96 = vector.broadcast %scan3A_88 : i32 to vector<16xi32>
      %add3A_97 = arith.addi %mul3A_31, %add3A_96 : vector<16xi32>
      tpu.vector_store_idx %arg9[%add3A_97], %get3A_95 : memref<6544xi32, #tpu.memory_space<vmem>>[vector<16xi32>], vector<16xi32>,
      %get3A_98 = arith.index_cast %scan3A_88 : i32 to index
      %get3A_99 = arith.constant 32 : index
      %get3A_100 = tpu.vector_load %arg8[%get3A_98, %get3A_99] {strides = array<i32>} : memref<50x128xi32, #tpu.memory_space<vmem>>, vector<16xi32>,
      %add3A_101 = vector.broadcast %scan3A_88 : i32 to vector<16xi32>
      %add3A_102 = arith.addi %mul3A_38, %add3A_101 : vector<16xi32>
      tpu.vector_store_idx %arg9[%add3A_102], %get3A_100 : memref<6544xi32, #tpu.memory_space<vmem>>[vector<16xi32>], vector<16xi32>,
      %get3A_103 = arith.index_cast %scan3A_88 : i32 to index
      %get3A_104 = arith.constant 48 : index
      %get3A_105 = tpu.vector_load %arg8[%get3A_103, %get3A_104] {strides = array<i32>} : memref<50x128xi32, #tpu.memory_space<vmem>>, vector<16xi32>,
      %add3A_106 = vector.broadcast %scan3A_88 : i32 to vector<16xi32>
      %add3A_107 = arith.addi %mul3A_45, %add3A_106 : vector<16xi32>
      tpu.vector_store_idx %arg9[%add3A_107], %get3A_105 : memref<6544xi32, #tpu.memory_space<vmem>>[vector<16xi32>], vector<16xi32>,
      %get3A_108 = arith.index_cast %scan3A_88 : i32 to index
      %get3A_109 = arith.constant 64 : index
      %get3A_110 = tpu.vector_load %arg8[%get3A_108, %get3A_109] {strides = array<i32>} : memref<50x128xi32, #tpu.memory_space<vmem>>, vector<16xi32>,
      %add3A_111 = vector.broadcast %scan3A_88 : i32 to vector<16xi32>
      %add3A_112 = arith.addi %mul3A_52, %add3A_111 : vector<16xi32>
      tpu.vector_store_idx %arg9[%add3A_112], %get3A_110 : memref<6544xi32, #tpu.memory_space<vmem>>[vector<16xi32>], vector<16xi32>,
      %get3A_113 = arith.index_cast %scan3A_88 : i32 to index
      %get3A_114 = arith.constant 80 : index
      %get3A_115 = tpu.vector_load %arg8[%get3A_113, %get3A_114] {strides = array<i32>} : memref<50x128xi32, #tpu.memory_space<vmem>>, vector<16xi32>,
      %add3A_116 = vector.broadcast %scan3A_88 : i32 to vector<16xi32>
      %add3A_117 = arith.addi %mul3A_59, %add3A_116 : vector<16xi32>
      tpu.vector_store_idx %arg9[%add3A_117], %get3A_115 : memref<6544xi32, #tpu.memory_space<vmem>>[vector<16xi32>], vector<16xi32>,
      %get3A_118 = arith.index_cast %scan3A_88 : i32 to index
      %get3A_119 = arith.constant 96 : index
      %get3A_120 = tpu.vector_load %arg8[%get3A_118, %get3A_119] {strides = array<i32>} : memref<50x128xi32, #tpu.memory_space<vmem>>, vector<16xi32>,
      %add3A_121 = vector.broadcast %scan3A_88 : i32 to vector<16xi32>
      %add3A_122 = arith.addi %mul3A_66, %add3A_121 : vector<16xi32>
      tpu.vector_store_idx %arg9[%add3A_122], %get3A_120 : memref<6544xi32, #tpu.memory_space<vmem>>[vector<16xi32>], vector<16xi32>,
      %get3A_123 = arith.index_cast %scan3A_88 : i32 to index
      %get3A_124 = arith.constant 112 : index
      %get3A_125 = tpu.vector_load %arg8[%get3A_123, %get3A_124] {strides = array<i32>} : memref<50x128xi32, #tpu.memory_space<vmem>>, vector<16xi32>,
      %add3A_126 = vector.broadcast %scan3A_88 : i32 to vector<16xi32>
      %add3A_127 = arith.addi %mul3A_73, %add3A_126 : vector<16xi32>
      tpu.vector_store_idx %arg9[%add3A_127], %get3A_125 : memref<6544xi32, #tpu.memory_space<vmem>>[vector<16xi32>], vector<16xi32>,
    }
    %scan3A_79 = arith.constant 50 : i32
    tpu.wait_dma2 semaphore(%arg12 : memref<!tpu.dma_semaphore, #tpu.memory_space<semaphore_mem>>) src(%arg11 : memref<32000xi32, #tpu.memory_space<vmem_shared>>) dst(%arg5 : memref<32000xi32, #tpu.memory_space<vmem>>)
    %scan3A_80 = arith.constant 0 : i32
    %scan3A_81 = arith.constant 0 : i32
    %scan3A_82 = arith.constant 128 : i32
    %scan3A_83 = arith.addi %scan3A_81, %scan3A_82 : i32
    %scan3A_84 = arith.constant 1 : i32
    scf.for %scan3A_88 = %scan3A_81 to %scan3A_83 step %scan3A_84  : i32 {
      %broadcast_in_dim3A = arith.constant 0.000000e+00 : f32
      %broadcast_in_dim3A_89 = vector.broadcast %broadcast_in_dim3A : f32 to vector<16xf32>
      %broadcast_in_dim3A_90 = arith.constant 0.000000e+00 : f32
      %broadcast_in_dim3A_91 = vector.broadcast %broadcast_in_dim3A_90 : f32 to vector<16xf32>
      %broadcast_in_dim3A_92 = arith.constant 0.000000e+00 : f32
      %broadcast_in_dim3A_93 = vector.broadcast %broadcast_in_dim3A_92 : f32 to vector<16xf32>
      %broadcast_in_dim3A_94 = arith.constant 0.000000e+00 : f32
      %broadcast_in_dim3A_95 = vector.broadcast %broadcast_in_dim3A_94 : f32 to vector<16xf32>
      %mul3A_96 = arith.constant 51 : i32
      %mul3A_97 = arith.muli %scan3A_88, %mul3A_96 : i32
      %add3A_98 = arith.constant 0 : i32
      %add3A_99 = arith.addi %mul3A_97, %add3A_98 : i32
      %get3A = arith.index_cast %add3A_99 : i32 to index
      %get3A_100 = tpu.vector_load %arg9[%get3A] {strides = array<i32>} : memref<6544xi32, #tpu.memory_space<vmem>>, vector<16xi32>,
      %slice3A = vector.extract_strided_slice %get3A_100 {offsets = [0], sizes = [1], strides = [1]} : vector<16xi32> to vector<1xi32>
      %squeeze3A = vector.extract %slice3A[0] : i32 from vector<1xi32>
      %mul3A_101 = arith.constant 32 : i32
      %mul3A_102 = arith.muli %squeeze3A, %mul3A_101 : i32
      %add3A_103 = arith.constant 0 : i32
      %add3A_104 = arith.addi %mul3A_102, %add3A_103 : i32
      %get3A_105 = arith.index_cast %add3A_104 : i32 to index
      %get3A_106 = tpu.vector_load %arg5[%get3A_105] {strides = array<i32>} : memref<32000xi32, #tpu.memory_space<vmem>>, vector<16xi32>,
      %shift_left3A = arith.constant 16 : i32
      %shift_left3A_107 = vector.broadcast %shift_left3A : i32 to vector<16xi32>
      %shift_left3A_108 = arith.shli %get3A_106, %shift_left3A_107 : vector<16xi32>
      %bitcast_convert_type3A = tpu.bitcast %shift_left3A_108 : vector<16xi32> -> vector<16xf32>
      %bitcast_convert_type3A_109 = tpu.bitcast %get3A_106 : vector<16xi32> -> vector<16xf32>
      %add3A_110 = arith.addf %broadcast_in_dim3A_89, %bitcast_convert_type3A : vector<16xf32>
      %add3A_111 = arith.addf %broadcast_in_dim3A_91, %bitcast_convert_type3A_109 : vector<16xf32>
      %add3A_112 = arith.constant 16 : i32
      %add3A_113 = arith.addi %mul3A_102, %add3A_112 : i32
      %get3A_114 = arith.index_cast %add3A_113 : i32 to index
      %get3A_115 = tpu.vector_load %arg5[%get3A_114] {strides = array<i32>} : memref<32000xi32, #tpu.memory_space<vmem>>, vector<16xi32>,
      %shift_left3A_116 = arith.constant 16 : i32
      %shift_left3A_117 = vector.broadcast %shift_left3A_116 : i32 to vector<16xi32>
      %shift_left3A_118 = arith.shli %get3A_115, %shift_left3A_117 : vector<16xi32>
      %bitcast_convert_type3A_119 = tpu.bitcast %shift_left3A_118 : vector<16xi32> -> vector<16xf32>
      %bitcast_convert_type3A_120 = tpu.bitcast %get3A_115 : vector<16xi32> -> vector<16xf32>
      %add3A_121 = arith.addf %broadcast_in_dim3A_93, %bitcast_convert_type3A_119 : vector<16xf32>
      %add3A_122 = arith.addf %broadcast_in_dim3A_95, %bitcast_convert_type3A_120 : vector<16xf32>
      %slice3A_123 = vector.extract_strided_slice %get3A_100 {offsets = [1], sizes = [1], strides = [1]} : vector<16xi32> to vector<1xi32>
      %squeeze3A_124 = vector.extract %slice3A_123[0] : i32 from vector<1xi32>
      %mul3A_125 = arith.constant 32 : i32
      %mul3A_126 = arith.muli %squeeze3A_124, %mul3A_125 : i32
      %add3A_127 = arith.constant 0 : i32
      %add3A_128 = arith.addi %mul3A_126, %add3A_127 : i32
      %get3A_129 = arith.index_cast %add3A_128 : i32 to index
      %get3A_130 = tpu.vector_load %arg5[%get3A_129] {strides = array<i32>} : memref<32000xi32, #tpu.memory_space<vmem>>, vector<16xi32>,
      %shift_left3A_131 = arith.constant 16 : i32
      %shift_left3A_132 = vector.broadcast %shift_left3A_131 : i32 to vector<16xi32>
      %shift_left3A_133 = arith.shli %get3A_130, %shift_left3A_132 : vector<16xi32>
      %bitcast_convert_type3A_134 = tpu.bitcast %shift_left3A_133 : vector<16xi32> -> vector<16xf32>
      %bitcast_convert_type3A_135 = tpu.bitcast %get3A_130 : vector<16xi32> -> vector<16xf32>
      %add3A_136 = arith.addf %add3A_110, %bitcast_convert_type3A_134 : vector<16xf32>
      %add3A_137 = arith.addf %add3A_111, %bitcast_convert_type3A_135 : vector<16xf32>
      %add3A_138 = arith.constant 16 : i32
      %add3A_139 = arith.addi %mul3A_126, %add3A_138 : i32
      %get3A_140 = arith.index_cast %add3A_139 : i32 to index
      %get3A_141 = tpu.vector_load %arg5[%get3A_140] {strides = array<i32>} : memref<32000xi32, #tpu.memory_space<vmem>>, vector<16xi32>,
      %shift_left3A_142 = arith.constant 16 : i32
      %shift_left3A_143 = vector.broadcast %shift_left3A_142 : i32 to vector<16xi32>
      %shift_left3A_144 = arith.shli %get3A_141, %shift_left3A_143 : vector<16xi32>
      %bitcast_convert_type3A_145 = tpu.bitcast %shift_left3A_144 : vector<16xi32> -> vector<16xf32>
      %bitcast_convert_type3A_146 = tpu.bitcast %get3A_141 : vector<16xi32> -> vector<16xf32>
      %add3A_147 = arith.addf %add3A_121, %bitcast_convert_type3A_145 : vector<16xf32>
      %add3A_148 = arith.addf %add3A_122, %bitcast_convert_type3A_146 : vector<16xf32>
      %slice3A_149 = vector.extract_strided_slice %get3A_100 {offsets = [2], sizes = [1], strides = [1]} : vector<16xi32> to vector<1xi32>
      %squeeze3A_150 = vector.extract %slice3A_149[0] : i32 from vector<1xi32>
      %mul3A_151 = arith.constant 32 : i32
      %mul3A_152 = arith.muli %squeeze3A_150, %mul3A_151 : i32
      %add3A_153 = arith.constant 0 : i32
      %add3A_154 = arith.addi %mul3A_152, %add3A_153 : i32
      %get3A_155 = arith.index_cast %add3A_154 : i32 to index
      %get3A_156 = tpu.vector_load %arg5[%get3A_155] {strides = array<i32>} : memref<32000xi32, #tpu.memory_space<vmem>>, vector<16xi32>,
      %shift_left3A_157 = arith.constant 16 : i32
      %shift_left3A_158 = vector.broadcast %shift_left3A_157 : i32 to vector<16xi32>
      %shift_left3A_159 = arith.shli %get3A_156, %shift_left3A_158 : vector<16xi32>
      %bitcast_convert_type3A_160 = tpu.bitcast %shift_left3A_159 : vector<16xi32> -> vector<16xf32>
      %bitcast_convert_type3A_161 = tpu.bitcast %get3A_156 : vector<16xi32> -> vector<16xf32>
      %add3A_162 = arith.addf %add3A_136, %bitcast_convert_type3A_160 : vector<16xf32>
      %add3A_163 = arith.addf %add3A_137, %bitcast_convert_type3A_161 : vector<16xf32>
      %add3A_164 = arith.constant 16 : i32
      %add3A_165 = arith.addi %mul3A_152, %add3A_164 : i32
      %get3A_166 = arith.index_cast %add3A_165 : i32 to index
      %get3A_167 = tpu.vector_load %arg5[%get3A_166] {strides = array<i32>} : memref<32000xi32, #tpu.memory_space<vmem>>, vector<16xi32>,
      %shift_left3A_168 = arith.constant 16 : i32
      %shift_left3A_169 = vector.broadcast %shift_left3A_168 : i32 to vector<16xi32>
      %shift_left3A_170 = arith.shli %get3A_167, %shift_left3A_169 : vector<16xi32>
      %bitcast_convert_type3A_171 = tpu.bitcast %shift_left3A_170 : vector<16xi32> -> vector<16xf32>
      %bitcast_convert_type3A_172 = tpu.bitcast %get3A_167 : vector<16xi32> -> vector<16xf32>
      %add3A_173 = arith.addf %add3A_147, %bitcast_convert_type3A_171 : vector<16xf32>
      %add3A_174 = arith.addf %add3A_148, %bitcast_convert_type3A_172 : vector<16xf32>
      %slice3A_175 = vector.extract_strided_slice %get3A_100 {offsets = [3], sizes = [1], strides = [1]} : vector<16xi32> to vector<1xi32>
      %squeeze3A_176 = vector.extract %slice3A_175[0] : i32 from vector<1xi32>
      %mul3A_177 = arith.constant 32 : i32
      %mul3A_178 = arith.muli %squeeze3A_176, %mul3A_177 : i32
      %add3A_179 = arith.constant 0 : i32
      %add3A_180 = arith.addi %mul3A_178, %add3A_179 : i32
      %get3A_181 = arith.index_cast %add3A_180 : i32 to index
      %get3A_182 = tpu.vector_load %arg5[%get3A_181] {strides = array<i32>} : memref<32000xi32, #tpu.memory_space<vmem>>, vector<16xi32>,
      %shift_left3A_183 = arith.constant 16 : i32
      %shift_left3A_184 = vector.broadcast %shift_left3A_183 : i32 to vector<16xi32>
      %shift_left3A_185 = arith.shli %get3A_182, %shift_left3A_184 : vector<16xi32>
      %bitcast_convert_type3A_186 = tpu.bitcast %shift_left3A_185 : vector<16xi32> -> vector<16xf32>
      %bitcast_convert_type3A_187 = tpu.bitcast %get3A_182 : vector<16xi32> -> vector<16xf32>
      %add3A_188 = arith.addf %add3A_162, %bitcast_convert_type3A_186 : vector<16xf32>
      %add3A_189 = arith.addf %add3A_163, %bitcast_convert_type3A_187 : vector<16xf32>
      %add3A_190 = arith.constant 16 : i32
      %add3A_191 = arith.addi %mul3A_178, %add3A_190 : i32
      %get3A_192 = arith.index_cast %add3A_191 : i32 to index
      %get3A_193 = tpu.vector_load %arg5[%get3A_192] {strides = array<i32>} : memref<32000xi32, #tpu.memory_space<vmem>>, vector<16xi32>,
      %shift_left3A_194 = arith.constant 16 : i32
      %shift_left3A_195 = vector.broadcast %shift_left3A_194 : i32 to vector<16xi32>
      %shift_left3A_196 = arith.shli %get3A_193, %shift_left3A_195 : vector<16xi32>
      %bitcast_convert_type3A_197 = tpu.bitcast %shift_left3A_196 : vector<16xi32> -> vector<16xf32>
      %bitcast_convert_type3A_198 = tpu.bitcast %get3A_193 : vector<16xi32> -> vector<16xf32>
      %add3A_199 = arith.addf %add3A_173, %bitcast_convert_type3A_197 : vector<16xf32>
      %add3A_200 = arith.addf %add3A_174, %bitcast_convert_type3A_198 : vector<16xf32>
      %slice3A_201 = vector.extract_strided_slice %get3A_100 {offsets = [4], sizes = [1], strides = [1]} : vector<16xi32> to vector<1xi32>
      %squeeze3A_202 = vector.extract %slice3A_201[0] : i32 from vector<1xi32>
      %mul3A_203 = arith.constant 32 : i32
      %mul3A_204 = arith.muli %squeeze3A_202, %mul3A_203 : i32
      %add3A_205 = arith.constant 0 : i32
      %add3A_206 = arith.addi %mul3A_204, %add3A_205 : i32
      %get3A_207 = arith.index_cast %add3A_206 : i32 to index
      %get3A_208 = tpu.vector_load %arg5[%get3A_207] {strides = array<i32>} : memref<32000xi32, #tpu.memory_space<vmem>>, vector<16xi32>,
      %shift_left3A_209 = arith.constant 16 : i32
      %shift_left3A_210 = vector.broadcast %shift_left3A_209 : i32 to vector<16xi32>
      %shift_left3A_211 = arith.shli %get3A_208, %shift_left3A_210 : vector<16xi32>
      %bitcast_convert_type3A_212 = tpu.bitcast %shift_left3A_211 : vector<16xi32> -> vector<16xf32>
      %bitcast_convert_type3A_213 = tpu.bitcast %get3A_208 : vector<16xi32> -> vector<16xf32>
      %add3A_214 = arith.addf %add3A_188, %bitcast_convert_type3A_212 : vector<16xf32>
      %add3A_215 = arith.addf %add3A_189, %bitcast_convert_type3A_213 : vector<16xf32>
      %add3A_216 = arith.constant 16 : i32
      %add3A_217 = arith.addi %mul3A_204, %add3A_216 : i32
      %get3A_218 = arith.index_cast %add3A_217 : i32 to index
      %get3A_219 = tpu.vector_load %arg5[%get3A_218] {strides = array<i32>} : memref<32000xi32, #tpu.memory_space<vmem>>, vector<16xi32>,
      %shift_left3A_220 = arith.constant 16 : i32
      %shift_left3A_221 = vector.broadcast %shift_left3A_220 : i32 to vector<16xi32>
      %shift_left3A_222 = arith.shli %get3A_219, %shift_left3A_221 : vector<16xi32>
      %bitcast_convert_type3A_223 = tpu.bitcast %shift_left3A_222 : vector<16xi32> -> vector<16xf32>
      %bitcast_convert_type3A_224 = tpu.bitcast %get3A_219 : vector<16xi32> -> vector<16xf32>
      %add3A_225 = arith.addf %add3A_199, %bitcast_convert_type3A_223 : vector<16xf32>
      %add3A_226 = arith.addf %add3A_200, %bitcast_convert_type3A_224 : vector<16xf32>
      %slice3A_227 = vector.extract_strided_slice %get3A_100 {offsets = [5], sizes = [1], strides = [1]} : vector<16xi32> to vector<1xi32>
      %squeeze3A_228 = vector.extract %slice3A_227[0] : i32 from vector<1xi32>
      %mul3A_229 = arith.constant 32 : i32
      %mul3A_230 = arith.muli %squeeze3A_228, %mul3A_229 : i32
      %add3A_231 = arith.constant 0 : i32
      %add3A_232 = arith.addi %mul3A_230, %add3A_231 : i32
      %get3A_233 = arith.index_cast %add3A_232 : i32 to index
      %get3A_234 = tpu.vector_load %arg5[%get3A_233] {strides = array<i32>} : memref<32000xi32, #tpu.memory_space<vmem>>, vector<16xi32>,
      %shift_left3A_235 = arith.constant 16 : i32
      %shift_left3A_236 = vector.broadcast %shift_left3A_235 : i32 to vector<16xi32>
      %shift_left3A_237 = arith.shli %get3A_234, %shift_left3A_236 : vector<16xi32>
      %bitcast_convert_type3A_238 = tpu.bitcast %shift_left3A_237 : vector<16xi32> -> vector<16xf32>
      %bitcast_convert_type3A_239 = tpu.bitcast %get3A_234 : vector<16xi32> -> vector<16xf32>
      %add3A_240 = arith.addf %add3A_214, %bitcast_convert_type3A_238 : vector<16xf32>
      %add3A_241 = arith.addf %add3A_215, %bitcast_convert_type3A_239 : vector<16xf32>
      %add3A_242 = arith.constant 16 : i32
      %add3A_243 = arith.addi %mul3A_230, %add3A_242 : i32
      %get3A_244 = arith.index_cast %add3A_243 : i32 to index
      %get3A_245 = tpu.vector_load %arg5[%get3A_244] {strides = array<i32>} : memref<32000xi32, #tpu.memory_space<vmem>>, vector<16xi32>,
      %shift_left3A_246 = arith.constant 16 : i32
      %shift_left3A_247 = vector.broadcast %shift_left3A_246 : i32 to vector<16xi32>
      %shift_left3A_248 = arith.shli %get3A_245, %shift_left3A_247 : vector<16xi32>
      %bitcast_convert_type3A_249 = tpu.bitcast %shift_left3A_248 : vector<16xi32> -> vector<16xf32>
      %bitcast_convert_type3A_250 = tpu.bitcast %get3A_245 : vector<16xi32> -> vector<16xf32>
      %add3A_251 = arith.addf %add3A_225, %bitcast_convert_type3A_249 : vector<16xf32>
      %add3A_252 = arith.addf %add3A_226, %bitcast_convert_type3A_250 : vector<16xf32>
      %slice3A_253 = vector.extract_strided_slice %get3A_100 {offsets = [6], sizes = [1], strides = [1]} : vector<16xi32> to vector<1xi32>
      %squeeze3A_254 = vector.extract %slice3A_253[0] : i32 from vector<1xi32>
      %mul3A_255 = arith.constant 32 : i32
      %mul3A_256 = arith.muli %squeeze3A_254, %mul3A_255 : i32
      %add3A_257 = arith.constant 0 : i32
      %add3A_258 = arith.addi %mul3A_256, %add3A_257 : i32
      %get3A_259 = arith.index_cast %add3A_258 : i32 to index
      %get3A_260 = tpu.vector_load %arg5[%get3A_259] {strides = array<i32>} : memref<32000xi32, #tpu.memory_space<vmem>>, vector<16xi32>,
      %shift_left3A_261 = arith.constant 16 : i32
      %shift_left3A_262 = vector.broadcast %shift_left3A_261 : i32 to vector<16xi32>
      %shift_left3A_263 = arith.shli %get3A_260, %shift_left3A_262 : vector<16xi32>
      %bitcast_convert_type3A_264 = tpu.bitcast %shift_left3A_263 : vector<16xi32> -> vector<16xf32>
      %bitcast_convert_type3A_265 = tpu.bitcast %get3A_260 : vector<16xi32> -> vector<16xf32>
      %add3A_266 = arith.addf %add3A_240, %bitcast_convert_type3A_264 : vector<16xf32>
      %add3A_267 = arith.addf %add3A_241, %bitcast_convert_type3A_265 : vector<16xf32>
      %add3A_268 = arith.constant 16 : i32
      %add3A_269 = arith.addi %mul3A_256, %add3A_268 : i32
      %get3A_270 = arith.index_cast %add3A_269 : i32 to index
      %get3A_271 = tpu.vector_load %arg5[%get3A_270] {strides = array<i32>} : memref<32000xi32, #tpu.memory_space<vmem>>, vector<16xi32>,
      %shift_left3A_272 = arith.constant 16 : i32
      %shift_left3A_273 = vector.broadcast %shift_left3A_272 : i32 to vector<16xi32>
      %shift_left3A_274 = arith.shli %get3A_271, %shift_left3A_273 : vector<16xi32>
      %bitcast_convert_type3A_275 = tpu.bitcast %shift_left3A_274 : vector<16xi32> -> vector<16xf32>
      %bitcast_convert_type3A_276 = tpu.bitcast %get3A_271 : vector<16xi32> -> vector<16xf32>
      %add3A_277 = arith.addf %add3A_251, %bitcast_convert_type3A_275 : vector<16xf32>
      %add3A_278 = arith.addf %add3A_252, %bitcast_convert_type3A_276 : vector<16xf32>
      %slice3A_279 = vector.extract_strided_slice %get3A_100 {offsets = [7], sizes = [1], strides = [1]} : vector<16xi32> to vector<1xi32>
      %squeeze3A_280 = vector.extract %slice3A_279[0] : i32 from vector<1xi32>
      %mul3A_281 = arith.constant 32 : i32
      %mul3A_282 = arith.muli %squeeze3A_280, %mul3A_281 : i32
      %add3A_283 = arith.constant 0 : i32
      %add3A_284 = arith.addi %mul3A_282, %add3A_283 : i32
      %get3A_285 = arith.index_cast %add3A_284 : i32 to index
      %get3A_286 = tpu.vector_load %arg5[%get3A_285] {strides = array<i32>} : memref<32000xi32, #tpu.memory_space<vmem>>, vector<16xi32>,
      %shift_left3A_287 = arith.constant 16 : i32
      %shift_left3A_288 = vector.broadcast %shift_left3A_287 : i32 to vector<16xi32>
      %shift_left3A_289 = arith.shli %get3A_286, %shift_left3A_288 : vector<16xi32>
      %bitcast_convert_type3A_290 = tpu.bitcast %shift_left3A_289 : vector<16xi32> -> vector<16xf32>
      %bitcast_convert_type3A_291 = tpu.bitcast %get3A_286 : vector<16xi32> -> vector<16xf32>
      %add3A_292 = arith.addf %add3A_266, %bitcast_convert_type3A_290 : vector<16xf32>
      %add3A_293 = arith.addf %add3A_267, %bitcast_convert_type3A_291 : vector<16xf32>
      %add3A_294 = arith.constant 16 : i32
      %add3A_295 = arith.addi %mul3A_282, %add3A_294 : i32
      %get3A_296 = arith.index_cast %add3A_295 : i32 to index
      %get3A_297 = tpu.vector_load %arg5[%get3A_296] {strides = array<i32>} : memref<32000xi32, #tpu.memory_space<vmem>>, vector<16xi32>,
      %shift_left3A_298 = arith.constant 16 : i32
      %shift_left3A_299 = vector.broadcast %shift_left3A_298 : i32 to vector<16xi32>
      %shift_left3A_300 = arith.shli %get3A_297, %shift_left3A_299 : vector<16xi32>
      %bitcast_convert_type3A_301 = tpu.bitcast %shift_left3A_300 : vector<16xi32> -> vector<16xf32>
      %bitcast_convert_type3A_302 = tpu.bitcast %get3A_297 : vector<16xi32> -> vector<16xf32>
      %add3A_303 = arith.addf %add3A_277, %bitcast_convert_type3A_301 : vector<16xf32>
      %add3A_304 = arith.addf %add3A_278, %bitcast_convert_type3A_302 : vector<16xf32>
      %slice3A_305 = vector.extract_strided_slice %get3A_100 {offsets = [8], sizes = [1], strides = [1]} : vector<16xi32> to vector<1xi32>
      %squeeze3A_306 = vector.extract %slice3A_305[0] : i32 from vector<1xi32>
      %mul3A_307 = arith.constant 32 : i32
      %mul3A_308 = arith.muli %squeeze3A_306, %mul3A_307 : i32
      %add3A_309 = arith.constant 0 : i32
      %add3A_310 = arith.addi %mul3A_308, %add3A_309 : i32
      %get3A_311 = arith.index_cast %add3A_310 : i32 to index
      %get3A_312 = tpu.vector_load %arg5[%get3A_311] {strides = array<i32>} : memref<32000xi32, #tpu.memory_space<vmem>>, vector<16xi32>,
      %shift_left3A_313 = arith.constant 16 : i32
      %shift_left3A_314 = vector.broadcast %shift_left3A_313 : i32 to vector<16xi32>
      %shift_left3A_315 = arith.shli %get3A_312, %shift_left3A_314 : vector<16xi32>
      %bitcast_convert_type3A_316 = tpu.bitcast %shift_left3A_315 : vector<16xi32> -> vector<16xf32>
      %bitcast_convert_type3A_317 = tpu.bitcast %get3A_312 : vector<16xi32> -> vector<16xf32>
      %add3A_318 = arith.addf %add3A_292, %bitcast_convert_type3A_316 : vector<16xf32>
      %add3A_319 = arith.addf %add3A_293, %bitcast_convert_type3A_317 : vector<16xf32>
      %add3A_320 = arith.constant 16 : i32
      %add3A_321 = arith.addi %mul3A_308, %add3A_320 : i32
      %get3A_322 = arith.index_cast %add3A_321 : i32 to index
      %get3A_323 = tpu.vector_load %arg5[%get3A_322] {strides = array<i32>} : memref<32000xi32, #tpu.memory_space<vmem>>, vector<16xi32>,
      %shift_left3A_324 = arith.constant 16 : i32
      %shift_left3A_325 = vector.broadcast %shift_left3A_324 : i32 to vector<16xi32>
      %shift_left3A_326 = arith.shli %get3A_323, %shift_left3A_325 : vector<16xi32>
      %bitcast_convert_type3A_327 = tpu.bitcast %shift_left3A_326 : vector<16xi32> -> vector<16xf32>
      %bitcast_convert_type3A_328 = tpu.bitcast %get3A_323 : vector<16xi32> -> vector<16xf32>
      %add3A_329 = arith.addf %add3A_303, %bitcast_convert_type3A_327 : vector<16xf32>
      %add3A_330 = arith.addf %add3A_304, %bitcast_convert_type3A_328 : vector<16xf32>
      %slice3A_331 = vector.extract_strided_slice %get3A_100 {offsets = [9], sizes = [1], strides = [1]} : vector<16xi32> to vector<1xi32>
      %squeeze3A_332 = vector.extract %slice3A_331[0] : i32 from vector<1xi32>
      %mul3A_333 = arith.constant 32 : i32
      %mul3A_334 = arith.muli %squeeze3A_332, %mul3A_333 : i32
      %add3A_335 = arith.constant 0 : i32
      %add3A_336 = arith.addi %mul3A_334, %add3A_335 : i32
      %get3A_337 = arith.index_cast %add3A_336 : i32 to index
      %get3A_338 = tpu.vector_load %arg5[%get3A_337] {strides = array<i32>} : memref<32000xi32, #tpu.memory_space<vmem>>, vector<16xi32>,
      %shift_left3A_339 = arith.constant 16 : i32
      %shift_left3A_340 = vector.broadcast %shift_left3A_339 : i32 to vector<16xi32>
      %shift_left3A_341 = arith.shli %get3A_338, %shift_left3A_340 : vector<16xi32>
      %bitcast_convert_type3A_342 = tpu.bitcast %shift_left3A_341 : vector<16xi32> -> vector<16xf32>
      %bitcast_convert_type3A_343 = tpu.bitcast %get3A_338 : vector<16xi32> -> vector<16xf32>
      %add3A_344 = arith.addf %add3A_318, %bitcast_convert_type3A_342 : vector<16xf32>
      %add3A_345 = arith.addf %add3A_319, %bitcast_convert_type3A_343 : vector<16xf32>
      %add3A_346 = arith.constant 16 : i32
      %add3A_347 = arith.addi %mul3A_334, %add3A_346 : i32
      %get3A_348 = arith.index_cast %add3A_347 : i32 to index
      %get3A_349 = tpu.vector_load %arg5[%get3A_348] {strides = array<i32>} : memref<32000xi32, #tpu.memory_space<vmem>>, vector<16xi32>,
      %shift_left3A_350 = arith.constant 16 : i32
      %shift_left3A_351 = vector.broadcast %shift_left3A_350 : i32 to vector<16xi32>
      %shift_left3A_352 = arith.shli %get3A_349, %shift_left3A_351 : vector<16xi32>
      %bitcast_convert_type3A_353 = tpu.bitcast %shift_left3A_352 : vector<16xi32> -> vector<16xf32>
      %bitcast_convert_type3A_354 = tpu.bitcast %get3A_349 : vector<16xi32> -> vector<16xf32>
      %add3A_355 = arith.addf %add3A_329, %bitcast_convert_type3A_353 : vector<16xf32>
      %add3A_356 = arith.addf %add3A_330, %bitcast_convert_type3A_354 : vector<16xf32>
      %slice3A_357 = vector.extract_strided_slice %get3A_100 {offsets = [10], sizes = [1], strides = [1]} : vector<16xi32> to vector<1xi32>
      %squeeze3A_358 = vector.extract %slice3A_357[0] : i32 from vector<1xi32>
      %mul3A_359 = arith.constant 32 : i32
      %mul3A_360 = arith.muli %squeeze3A_358, %mul3A_359 : i32
      %add3A_361 = arith.constant 0 : i32
      %add3A_362 = arith.addi %mul3A_360, %add3A_361 : i32
      %get3A_363 = arith.index_cast %add3A_362 : i32 to index
      %get3A_364 = tpu.vector_load %arg5[%get3A_363] {strides = array<i32>} : memref<32000xi32, #tpu.memory_space<vmem>>, vector<16xi32>,
      %shift_left3A_365 = arith.constant 16 : i32
      %shift_left3A_366 = vector.broadcast %shift_left3A_365 : i32 to vector<16xi32>
      %shift_left3A_367 = arith.shli %get3A_364, %shift_left3A_366 : vector<16xi32>
      %bitcast_convert_type3A_368 = tpu.bitcast %shift_left3A_367 : vector<16xi32> -> vector<16xf32>
      %bitcast_convert_type3A_369 = tpu.bitcast %get3A_364 : vector<16xi32> -> vector<16xf32>
      %add3A_370 = arith.addf %add3A_344, %bitcast_convert_type3A_368 : vector<16xf32>
      %add3A_371 = arith.addf %add3A_345, %bitcast_convert_type3A_369 : vector<16xf32>
      %add3A_372 = arith.constant 16 : i32
      %add3A_373 = arith.addi %mul3A_360, %add3A_372 : i32
      %get3A_374 = arith.index_cast %add3A_373 : i32 to index
      %get3A_375 = tpu.vector_load %arg5[%get3A_374] {strides = array<i32>} : memref<32000xi32, #tpu.memory_space<vmem>>, vector<16xi32>,
      %shift_left3A_376 = arith.constant 16 : i32
      %shift_left3A_377 = vector.broadcast %shift_left3A_376 : i32 to vector<16xi32>
      %shift_left3A_378 = arith.shli %get3A_375, %shift_left3A_377 : vector<16xi32>
      %bitcast_convert_type3A_379 = tpu.bitcast %shift_left3A_378 : vector<16xi32> -> vector<16xf32>
      %bitcast_convert_type3A_380 = tpu.bitcast %get3A_375 : vector<16xi32> -> vector<16xf32>
      %add3A_381 = arith.addf %add3A_355, %bitcast_convert_type3A_379 : vector<16xf32>
      %add3A_382 = arith.addf %add3A_356, %bitcast_convert_type3A_380 : vector<16xf32>
      %slice3A_383 = vector.extract_strided_slice %get3A_100 {offsets = [11], sizes = [1], strides = [1]} : vector<16xi32> to vector<1xi32>
      %squeeze3A_384 = vector.extract %slice3A_383[0] : i32 from vector<1xi32>
      %mul3A_385 = arith.constant 32 : i32
      %mul3A_386 = arith.muli %squeeze3A_384, %mul3A_385 : i32
      %add3A_387 = arith.constant 0 : i32
      %add3A_388 = arith.addi %mul3A_386, %add3A_387 : i32
      %get3A_389 = arith.index_cast %add3A_388 : i32 to index
      %get3A_390 = tpu.vector_load %arg5[%get3A_389] {strides = array<i32>} : memref<32000xi32, #tpu.memory_space<vmem>>, vector<16xi32>,
      %shift_left3A_391 = arith.constant 16 : i32
      %shift_left3A_392 = vector.broadcast %shift_left3A_391 : i32 to vector<16xi32>
      %shift_left3A_393 = arith.shli %get3A_390, %shift_left3A_392 : vector<16xi32>
      %bitcast_convert_type3A_394 = tpu.bitcast %shift_left3A_393 : vector<16xi32> -> vector<16xf32>
      %bitcast_convert_type3A_395 = tpu.bitcast %get3A_390 : vector<16xi32> -> vector<16xf32>
      %add3A_396 = arith.addf %add3A_370, %bitcast_convert_type3A_394 : vector<16xf32>
      %add3A_397 = arith.addf %add3A_371, %bitcast_convert_type3A_395 : vector<16xf32>
      %add3A_398 = arith.constant 16 : i32
      %add3A_399 = arith.addi %mul3A_386, %add3A_398 : i32
      %get3A_400 = arith.index_cast %add3A_399 : i32 to index
      %get3A_401 = tpu.vector_load %arg5[%get3A_400] {strides = array<i32>} : memref<32000xi32, #tpu.memory_space<vmem>>, vector<16xi32>,
      %shift_left3A_402 = arith.constant 16 : i32
      %shift_left3A_403 = vector.broadcast %shift_left3A_402 : i32 to vector<16xi32>
      %shift_left3A_404 = arith.shli %get3A_401, %shift_left3A_403 : vector<16xi32>
      %bitcast_convert_type3A_405 = tpu.bitcast %shift_left3A_404 : vector<16xi32> -> vector<16xf32>
      %bitcast_convert_type3A_406 = tpu.bitcast %get3A_401 : vector<16xi32> -> vector<16xf32>
      %add3A_407 = arith.addf %add3A_381, %bitcast_convert_type3A_405 : vector<16xf32>
      %add3A_408 = arith.addf %add3A_382, %bitcast_convert_type3A_406 : vector<16xf32>
      %slice3A_409 = vector.extract_strided_slice %get3A_100 {offsets = [12], sizes = [1], strides = [1]} : vector<16xi32> to vector<1xi32>
      %squeeze3A_410 = vector.extract %slice3A_409[0] : i32 from vector<1xi32>
      %mul3A_411 = arith.constant 32 : i32
      %mul3A_412 = arith.muli %squeeze3A_410, %mul3A_411 : i32
      %add3A_413 = arith.constant 0 : i32
      %add3A_414 = arith.addi %mul3A_412, %add3A_413 : i32
      %get3A_415 = arith.index_cast %add3A_414 : i32 to index
      %get3A_416 = tpu.vector_load %arg5[%get3A_415] {strides = array<i32>} : memref<32000xi32, #tpu.memory_space<vmem>>, vector<16xi32>,
      %shift_left3A_417 = arith.constant 16 : i32
      %shift_left3A_418 = vector.broadcast %shift_left3A_417 : i32 to vector<16xi32>
      %shift_left3A_419 = arith.shli %get3A_416, %shift_left3A_418 : vector<16xi32>
      %bitcast_convert_type3A_420 = tpu.bitcast %shift_left3A_419 : vector<16xi32> -> vector<16xf32>
      %bitcast_convert_type3A_421 = tpu.bitcast %get3A_416 : vector<16xi32> -> vector<16xf32>
      %add3A_422 = arith.addf %add3A_396, %bitcast_convert_type3A_420 : vector<16xf32>
      %add3A_423 = arith.addf %add3A_397, %bitcast_convert_type3A_421 : vector<16xf32>
      %add3A_424 = arith.constant 16 : i32
      %add3A_425 = arith.addi %mul3A_412, %add3A_424 : i32
      %get3A_426 = arith.index_cast %add3A_425 : i32 to index
      %get3A_427 = tpu.vector_load %arg5[%get3A_426] {strides = array<i32>} : memref<32000xi32, #tpu.memory_space<vmem>>, vector<16xi32>,
      %shift_left3A_428 = arith.constant 16 : i32
      %shift_left3A_429 = vector.broadcast %shift_left3A_428 : i32 to vector<16xi32>
      %shift_left3A_430 = arith.shli %get3A_427, %shift_left3A_429 : vector<16xi32>
      %bitcast_convert_type3A_431 = tpu.bitcast %shift_left3A_430 : vector<16xi32> -> vector<16xf32>
      %bitcast_convert_type3A_432 = tpu.bitcast %get3A_427 : vector<16xi32> -> vector<16xf32>
      %add3A_433 = arith.addf %add3A_407, %bitcast_convert_type3A_431 : vector<16xf32>
      %add3A_434 = arith.addf %add3A_408, %bitcast_convert_type3A_432 : vector<16xf32>
      %slice3A_435 = vector.extract_strided_slice %get3A_100 {offsets = [13], sizes = [1], strides = [1]} : vector<16xi32> to vector<1xi32>
      %squeeze3A_436 = vector.extract %slice3A_435[0] : i32 from vector<1xi32>
      %mul3A_437 = arith.constant 32 : i32
      %mul3A_438 = arith.muli %squeeze3A_436, %mul3A_437 : i32
      %add3A_439 = arith.constant 0 : i32
      %add3A_440 = arith.addi %mul3A_438, %add3A_439 : i32
      %get3A_441 = arith.index_cast %add3A_440 : i32 to index
      %get3A_442 = tpu.vector_load %arg5[%get3A_441] {strides = array<i32>} : memref<32000xi32, #tpu.memory_space<vmem>>, vector<16xi32>,
      %shift_left3A_443 = arith.constant 16 : i32
      %shift_left3A_444 = vector.broadcast %shift_left3A_443 : i32 to vector<16xi32>
      %shift_left3A_445 = arith.shli %get3A_442, %shift_left3A_444 : vector<16xi32>
      %bitcast_convert_type3A_446 = tpu.bitcast %shift_left3A_445 : vector<16xi32> -> vector<16xf32>
      %bitcast_convert_type3A_447 = tpu.bitcast %get3A_442 : vector<16xi32> -> vector<16xf32>
      %add3A_448 = arith.addf %add3A_422, %bitcast_convert_type3A_446 : vector<16xf32>
      %add3A_449 = arith.addf %add3A_423, %bitcast_convert_type3A_447 : vector<16xf32>
      %add3A_450 = arith.constant 16 : i32
      %add3A_451 = arith.addi %mul3A_438, %add3A_450 : i32
      %get3A_452 = arith.index_cast %add3A_451 : i32 to index
      %get3A_453 = tpu.vector_load %arg5[%get3A_452] {strides = array<i32>} : memref<32000xi32, #tpu.memory_space<vmem>>, vector<16xi32>,
      %shift_left3A_454 = arith.constant 16 : i32
      %shift_left3A_455 = vector.broadcast %shift_left3A_454 : i32 to vector<16xi32>
      %shift_left3A_456 = arith.shli %get3A_453, %shift_left3A_455 : vector<16xi32>
      %bitcast_convert_type3A_457 = tpu.bitcast %shift_left3A_456 : vector<16xi32> -> vector<16xf32>
      %bitcast_convert_type3A_458 = tpu.bitcast %get3A_453 : vector<16xi32> -> vector<16xf32>
      %add3A_459 = arith.addf %add3A_433, %bitcast_convert_type3A_457 : vector<16xf32>
      %add3A_460 = arith.addf %add3A_434, %bitcast_convert_type3A_458 : vector<16xf32>
      %slice3A_461 = vector.extract_strided_slice %get3A_100 {offsets = [14], sizes = [1], strides = [1]} : vector<16xi32> to vector<1xi32>
      %squeeze3A_462 = vector.extract %slice3A_461[0] : i32 from vector<1xi32>
      %mul3A_463 = arith.constant 32 : i32
      %mul3A_464 = arith.muli %squeeze3A_462, %mul3A_463 : i32
      %add3A_465 = arith.constant 0 : i32
      %add3A_466 = arith.addi %mul3A_464, %add3A_465 : i32
      %get3A_467 = arith.index_cast %add3A_466 : i32 to index
      %get3A_468 = tpu.vector_load %arg5[%get3A_467] {strides = array<i32>} : memref<32000xi32, #tpu.memory_space<vmem>>, vector<16xi32>,
      %shift_left3A_469 = arith.constant 16 : i32
      %shift_left3A_470 = vector.broadcast %shift_left3A_469 : i32 to vector<16xi32>
      %shift_left3A_471 = arith.shli %get3A_468, %shift_left3A_470 : vector<16xi32>
      %bitcast_convert_type3A_472 = tpu.bitcast %shift_left3A_471 : vector<16xi32> -> vector<16xf32>
      %bitcast_convert_type3A_473 = tpu.bitcast %get3A_468 : vector<16xi32> -> vector<16xf32>
      %add3A_474 = arith.addf %add3A_448, %bitcast_convert_type3A_472 : vector<16xf32>
      %add3A_475 = arith.addf %add3A_449, %bitcast_convert_type3A_473 : vector<16xf32>
      %add3A_476 = arith.constant 16 : i32
      %add3A_477 = arith.addi %mul3A_464, %add3A_476 : i32
      %get3A_478 = arith.index_cast %add3A_477 : i32 to index
      %get3A_479 = tpu.vector_load %arg5[%get3A_478] {strides = array<i32>} : memref<32000xi32, #tpu.memory_space<vmem>>, vector<16xi32>,
      %shift_left3A_480 = arith.constant 16 : i32
      %shift_left3A_481 = vector.broadcast %shift_left3A_480 : i32 to vector<16xi32>
      %shift_left3A_482 = arith.shli %get3A_479, %shift_left3A_481 : vector<16xi32>
      %bitcast_convert_type3A_483 = tpu.bitcast %shift_left3A_482 : vector<16xi32> -> vector<16xf32>
      %bitcast_convert_type3A_484 = tpu.bitcast %get3A_479 : vector<16xi32> -> vector<16xf32>
      %add3A_485 = arith.addf %add3A_459, %bitcast_convert_type3A_483 : vector<16xf32>
      %add3A_486 = arith.addf %add3A_460, %bitcast_convert_type3A_484 : vector<16xf32>
      %slice3A_487 = vector.extract_strided_slice %get3A_100 {offsets = [15], sizes = [1], strides = [1]} : vector<16xi32> to vector<1xi32>
      %squeeze3A_488 = vector.extract %slice3A_487[0] : i32 from vector<1xi32>
      %mul3A_489 = arith.constant 32 : i32
      %mul3A_490 = arith.muli %squeeze3A_488, %mul3A_489 : i32
      %add3A_491 = arith.constant 0 : i32
      %add3A_492 = arith.addi %mul3A_490, %add3A_491 : i32
      %get3A_493 = arith.index_cast %add3A_492 : i32 to index
      %get3A_494 = tpu.vector_load %arg5[%get3A_493] {strides = array<i32>} : memref<32000xi32, #tpu.memory_space<vmem>>, vector<16xi32>,
      %shift_left3A_495 = arith.constant 16 : i32
      %shift_left3A_496 = vector.broadcast %shift_left3A_495 : i32 to vector<16xi32>
      %shift_left3A_497 = arith.shli %get3A_494, %shift_left3A_496 : vector<16xi32>
      %bitcast_convert_type3A_498 = tpu.bitcast %shift_left3A_497 : vector<16xi32> -> vector<16xf32>
      %bitcast_convert_type3A_499 = tpu.bitcast %get3A_494 : vector<16xi32> -> vector<16xf32>
      %add3A_500 = arith.addf %add3A_474, %bitcast_convert_type3A_498 : vector<16xf32>
      %add3A_501 = arith.addf %add3A_475, %bitcast_convert_type3A_499 : vector<16xf32>
      %add3A_502 = arith.constant 16 : i32
      %add3A_503 = arith.addi %mul3A_490, %add3A_502 : i32
      %get3A_504 = arith.index_cast %add3A_503 : i32 to index
      %get3A_505 = tpu.vector_load %arg5[%get3A_504] {strides = array<i32>} : memref<32000xi32, #tpu.memory_space<vmem>>, vector<16xi32>,
      %shift_left3A_506 = arith.constant 16 : i32
      %shift_left3A_507 = vector.broadcast %shift_left3A_506 : i32 to vector<16xi32>
      %shift_left3A_508 = arith.shli %get3A_505, %shift_left3A_507 : vector<16xi32>
      %bitcast_convert_type3A_509 = tpu.bitcast %shift_left3A_508 : vector<16xi32> -> vector<16xf32>
      %bitcast_convert_type3A_510 = tpu.bitcast %get3A_505 : vector<16xi32> -> vector<16xf32>
      %add3A_511 = arith.addf %add3A_485, %bitcast_convert_type3A_509 : vector<16xf32>
      %add3A_512 = arith.addf %add3A_486, %bitcast_convert_type3A_510 : vector<16xf32>
      %mul3A_513 = arith.constant 51 : i32
      %mul3A_514 = arith.muli %scan3A_88, %mul3A_513 : i32
      %add3A_515 = arith.constant 16 : i32
      %add3A_516 = arith.addi %mul3A_514, %add3A_515 : i32
      %get3A_517 = arith.index_cast %add3A_516 : i32 to index
      %get3A_518 = tpu.vector_load %arg9[%get3A_517] {strides = array<i32>} : memref<6544xi32, #tpu.memory_space<vmem>>, vector<16xi32>,
      %slice3A_519 = vector.extract_strided_slice %get3A_518 {offsets = [0], sizes = [1], strides = [1]} : vector<16xi32> to vector<1xi32>
      %squeeze3A_520 = vector.extract %slice3A_519[0] : i32 from vector<1xi32>
      %mul3A_521 = arith.constant 32 : i32
      %mul3A_522 = arith.muli %squeeze3A_520, %mul3A_521 : i32
      %add3A_523 = arith.constant 0 : i32
      %add3A_524 = arith.addi %mul3A_522, %add3A_523 : i32
      %get3A_525 = arith.index_cast %add3A_524 : i32 to index
      %get3A_526 = tpu.vector_load %arg5[%get3A_525] {strides = array<i32>} : memref<32000xi32, #tpu.memory_space<vmem>>, vector<16xi32>,
      %shift_left3A_527 = arith.constant 16 : i32
      %shift_left3A_528 = vector.broadcast %shift_left3A_527 : i32 to vector<16xi32>
      %shift_left3A_529 = arith.shli %get3A_526, %shift_left3A_528 : vector<16xi32>
      %bitcast_convert_type3A_530 = tpu.bitcast %shift_left3A_529 : vector<16xi32> -> vector<16xf32>
      %bitcast_convert_type3A_531 = tpu.bitcast %get3A_526 : vector<16xi32> -> vector<16xf32>
      %add3A_532 = arith.addf %add3A_500, %bitcast_convert_type3A_530 : vector<16xf32>
      %add3A_533 = arith.addf %add3A_501, %bitcast_convert_type3A_531 : vector<16xf32>
      %add3A_534 = arith.constant 16 : i32
      %add3A_535 = arith.addi %mul3A_522, %add3A_534 : i32
      %get3A_536 = arith.index_cast %add3A_535 : i32 to index
      %get3A_537 = tpu.vector_load %arg5[%get3A_536] {strides = array<i32>} : memref<32000xi32, #tpu.memory_space<vmem>>, vector<16xi32>,
      %shift_left3A_538 = arith.constant 16 : i32
      %shift_left3A_539 = vector.broadcast %shift_left3A_538 : i32 to vector<16xi32>
      %shift_left3A_540 = arith.shli %get3A_537, %shift_left3A_539 : vector<16xi32>
      %bitcast_convert_type3A_541 = tpu.bitcast %shift_left3A_540 : vector<16xi32> -> vector<16xf32>
      %bitcast_convert_type3A_542 = tpu.bitcast %get3A_537 : vector<16xi32> -> vector<16xf32>
      %add3A_543 = arith.addf %add3A_511, %bitcast_convert_type3A_541 : vector<16xf32>
      %add3A_544 = arith.addf %add3A_512, %bitcast_convert_type3A_542 : vector<16xf32>
      %slice3A_545 = vector.extract_strided_slice %get3A_518 {offsets = [1], sizes = [1], strides = [1]} : vector<16xi32> to vector<1xi32>
      %squeeze3A_546 = vector.extract %slice3A_545[0] : i32 from vector<1xi32>
      %mul3A_547 = arith.constant 32 : i32
      %mul3A_548 = arith.muli %squeeze3A_546, %mul3A_547 : i32
      %add3A_549 = arith.constant 0 : i32
      %add3A_550 = arith.addi %mul3A_548, %add3A_549 : i32
      %get3A_551 = arith.index_cast %add3A_550 : i32 to index
      %get3A_552 = tpu.vector_load %arg5[%get3A_551] {strides = array<i32>} : memref<32000xi32, #tpu.memory_space<vmem>>, vector<16xi32>,
      %shift_left3A_553 = arith.constant 16 : i32
      %shift_left3A_554 = vector.broadcast %shift_left3A_553 : i32 to vector<16xi32>
      %shift_left3A_555 = arith.shli %get3A_552, %shift_left3A_554 : vector<16xi32>
      %bitcast_convert_type3A_556 = tpu.bitcast %shift_left3A_555 : vector<16xi32> -> vector<16xf32>
      %bitcast_convert_type3A_557 = tpu.bitcast %get3A_552 : vector<16xi32> -> vector<16xf32>
      %add3A_558 = arith.addf %add3A_532, %bitcast_convert_type3A_556 : vector<16xf32>
      %add3A_559 = arith.addf %add3A_533, %bitcast_convert_type3A_557 : vector<16xf32>
      %add3A_560 = arith.constant 16 : i32
      %add3A_561 = arith.addi %mul3A_548, %add3A_560 : i32
      %get3A_562 = arith.index_cast %add3A_561 : i32 to index
      %get3A_563 = tpu.vector_load %arg5[%get3A_562] {strides = array<i32>} : memref<32000xi32, #tpu.memory_space<vmem>>, vector<16xi32>,
      %shift_left3A_564 = arith.constant 16 : i32
      %shift_left3A_565 = vector.broadcast %shift_left3A_564 : i32 to vector<16xi32>
      %shift_left3A_566 = arith.shli %get3A_563, %shift_left3A_565 : vector<16xi32>
      %bitcast_convert_type3A_567 = tpu.bitcast %shift_left3A_566 : vector<16xi32> -> vector<16xf32>
      %bitcast_convert_type3A_568 = tpu.bitcast %get3A_563 : vector<16xi32> -> vector<16xf32>
      %add3A_569 = arith.addf %add3A_543, %bitcast_convert_type3A_567 : vector<16xf32>
      %add3A_570 = arith.addf %add3A_544, %bitcast_convert_type3A_568 : vector<16xf32>
      %slice3A_571 = vector.extract_strided_slice %get3A_518 {offsets = [2], sizes = [1], strides = [1]} : vector<16xi32> to vector<1xi32>
      %squeeze3A_572 = vector.extract %slice3A_571[0] : i32 from vector<1xi32>
      %mul3A_573 = arith.constant 32 : i32
      %mul3A_574 = arith.muli %squeeze3A_572, %mul3A_573 : i32
      %add3A_575 = arith.constant 0 : i32
      %add3A_576 = arith.addi %mul3A_574, %add3A_575 : i32
      %get3A_577 = arith.index_cast %add3A_576 : i32 to index
      %get3A_578 = tpu.vector_load %arg5[%get3A_577] {strides = array<i32>} : memref<32000xi32, #tpu.memory_space<vmem>>, vector<16xi32>,
      %shift_left3A_579 = arith.constant 16 : i32
      %shift_left3A_580 = vector.broadcast %shift_left3A_579 : i32 to vector<16xi32>
      %shift_left3A_581 = arith.shli %get3A_578, %shift_left3A_580 : vector<16xi32>
      %bitcast_convert_type3A_582 = tpu.bitcast %shift_left3A_581 : vector<16xi32> -> vector<16xf32>
      %bitcast_convert_type3A_583 = tpu.bitcast %get3A_578 : vector<16xi32> -> vector<16xf32>
      %add3A_584 = arith.addf %add3A_558, %bitcast_convert_type3A_582 : vector<16xf32>
      %add3A_585 = arith.addf %add3A_559, %bitcast_convert_type3A_583 : vector<16xf32>
      %add3A_586 = arith.constant 16 : i32
      %add3A_587 = arith.addi %mul3A_574, %add3A_586 : i32
      %get3A_588 = arith.index_cast %add3A_587 : i32 to index
      %get3A_589 = tpu.vector_load %arg5[%get3A_588] {strides = array<i32>} : memref<32000xi32, #tpu.memory_space<vmem>>, vector<16xi32>,
      %shift_left3A_590 = arith.constant 16 : i32
      %shift_left3A_591 = vector.broadcast %shift_left3A_590 : i32 to vector<16xi32>
      %shift_left3A_592 = arith.shli %get3A_589, %shift_left3A_591 : vector<16xi32>
      %bitcast_convert_type3A_593 = tpu.bitcast %shift_left3A_592 : vector<16xi32> -> vector<16xf32>
      %bitcast_convert_type3A_594 = tpu.bitcast %get3A_589 : vector<16xi32> -> vector<16xf32>
      %add3A_595 = arith.addf %add3A_569, %bitcast_convert_type3A_593 : vector<16xf32>
      %add3A_596 = arith.addf %add3A_570, %bitcast_convert_type3A_594 : vector<16xf32>
      %slice3A_597 = vector.extract_strided_slice %get3A_518 {offsets = [3], sizes = [1], strides = [1]} : vector<16xi32> to vector<1xi32>
      %squeeze3A_598 = vector.extract %slice3A_597[0] : i32 from vector<1xi32>
      %mul3A_599 = arith.constant 32 : i32
      %mul3A_600 = arith.muli %squeeze3A_598, %mul3A_599 : i32
      %add3A_601 = arith.constant 0 : i32
      %add3A_602 = arith.addi %mul3A_600, %add3A_601 : i32
      %get3A_603 = arith.index_cast %add3A_602 : i32 to index
      %get3A_604 = tpu.vector_load %arg5[%get3A_603] {strides = array<i32>} : memref<32000xi32, #tpu.memory_space<vmem>>, vector<16xi32>,
      %shift_left3A_605 = arith.constant 16 : i32
      %shift_left3A_606 = vector.broadcast %shift_left3A_605 : i32 to vector<16xi32>
      %shift_left3A_607 = arith.shli %get3A_604, %shift_left3A_606 : vector<16xi32>
      %bitcast_convert_type3A_608 = tpu.bitcast %shift_left3A_607 : vector<16xi32> -> vector<16xf32>
      %bitcast_convert_type3A_609 = tpu.bitcast %get3A_604 : vector<16xi32> -> vector<16xf32>
      %add3A_610 = arith.addf %add3A_584, %bitcast_convert_type3A_608 : vector<16xf32>
      %add3A_611 = arith.addf %add3A_585, %bitcast_convert_type3A_609 : vector<16xf32>
      %add3A_612 = arith.constant 16 : i32
      %add3A_613 = arith.addi %mul3A_600, %add3A_612 : i32
      %get3A_614 = arith.index_cast %add3A_613 : i32 to index
      %get3A_615 = tpu.vector_load %arg5[%get3A_614] {strides = array<i32>} : memref<32000xi32, #tpu.memory_space<vmem>>, vector<16xi32>,
      %shift_left3A_616 = arith.constant 16 : i32
      %shift_left3A_617 = vector.broadcast %shift_left3A_616 : i32 to vector<16xi32>
      %shift_left3A_618 = arith.shli %get3A_615, %shift_left3A_617 : vector<16xi32>
      %bitcast_convert_type3A_619 = tpu.bitcast %shift_left3A_618 : vector<16xi32> -> vector<16xf32>
      %bitcast_convert_type3A_620 = tpu.bitcast %get3A_615 : vector<16xi32> -> vector<16xf32>
      %add3A_621 = arith.addf %add3A_595, %bitcast_convert_type3A_619 : vector<16xf32>
      %add3A_622 = arith.addf %add3A_596, %bitcast_convert_type3A_620 : vector<16xf32>
      %slice3A_623 = vector.extract_strided_slice %get3A_518 {offsets = [4], sizes = [1], strides = [1]} : vector<16xi32> to vector<1xi32>
      %squeeze3A_624 = vector.extract %slice3A_623[0] : i32 from vector<1xi32>
      %mul3A_625 = arith.constant 32 : i32
      %mul3A_626 = arith.muli %squeeze3A_624, %mul3A_625 : i32
      %add3A_627 = arith.constant 0 : i32
      %add3A_628 = arith.addi %mul3A_626, %add3A_627 : i32
      %get3A_629 = arith.index_cast %add3A_628 : i32 to index
      %get3A_630 = tpu.vector_load %arg5[%get3A_629] {strides = array<i32>} : memref<32000xi32, #tpu.memory_space<vmem>>, vector<16xi32>,
      %shift_left3A_631 = arith.constant 16 : i32
      %shift_left3A_632 = vector.broadcast %shift_left3A_631 : i32 to vector<16xi32>
      %shift_left3A_633 = arith.shli %get3A_630, %shift_left3A_632 : vector<16xi32>
      %bitcast_convert_type3A_634 = tpu.bitcast %shift_left3A_633 : vector<16xi32> -> vector<16xf32>
      %bitcast_convert_type3A_635 = tpu.bitcast %get3A_630 : vector<16xi32> -> vector<16xf32>
      %add3A_636 = arith.addf %add3A_610, %bitcast_convert_type3A_634 : vector<16xf32>
      %add3A_637 = arith.addf %add3A_611, %bitcast_convert_type3A_635 : vector<16xf32>
      %add3A_638 = arith.constant 16 : i32
      %add3A_639 = arith.addi %mul3A_626, %add3A_638 : i32
      %get3A_640 = arith.index_cast %add3A_639 : i32 to index
      %get3A_641 = tpu.vector_load %arg5[%get3A_640] {strides = array<i32>} : memref<32000xi32, #tpu.memory_space<vmem>>, vector<16xi32>,
      %shift_left3A_642 = arith.constant 16 : i32
      %shift_left3A_643 = vector.broadcast %shift_left3A_642 : i32 to vector<16xi32>
      %shift_left3A_644 = arith.shli %get3A_641, %shift_left3A_643 : vector<16xi32>
      %bitcast_convert_type3A_645 = tpu.bitcast %shift_left3A_644 : vector<16xi32> -> vector<16xf32>
      %bitcast_convert_type3A_646 = tpu.bitcast %get3A_641 : vector<16xi32> -> vector<16xf32>
      %add3A_647 = arith.addf %add3A_621, %bitcast_convert_type3A_645 : vector<16xf32>
      %add3A_648 = arith.addf %add3A_622, %bitcast_convert_type3A_646 : vector<16xf32>
      %slice3A_649 = vector.extract_strided_slice %get3A_518 {offsets = [5], sizes = [1], strides = [1]} : vector<16xi32> to vector<1xi32>
      %squeeze3A_650 = vector.extract %slice3A_649[0] : i32 from vector<1xi32>
      %mul3A_651 = arith.constant 32 : i32
      %mul3A_652 = arith.muli %squeeze3A_650, %mul3A_651 : i32
      %add3A_653 = arith.constant 0 : i32
      %add3A_654 = arith.addi %mul3A_652, %add3A_653 : i32
      %get3A_655 = arith.index_cast %add3A_654 : i32 to index
      %get3A_656 = tpu.vector_load %arg5[%get3A_655] {strides = array<i32>} : memref<32000xi32, #tpu.memory_space<vmem>>, vector<16xi32>,
      %shift_left3A_657 = arith.constant 16 : i32
      %shift_left3A_658 = vector.broadcast %shift_left3A_657 : i32 to vector<16xi32>
      %shift_left3A_659 = arith.shli %get3A_656, %shift_left3A_658 : vector<16xi32>
      %bitcast_convert_type3A_660 = tpu.bitcast %shift_left3A_659 : vector<16xi32> -> vector<16xf32>
      %bitcast_convert_type3A_661 = tpu.bitcast %get3A_656 : vector<16xi32> -> vector<16xf32>
      %add3A_662 = arith.addf %add3A_636, %bitcast_convert_type3A_660 : vector<16xf32>
      %add3A_663 = arith.addf %add3A_637, %bitcast_convert_type3A_661 : vector<16xf32>
      %add3A_664 = arith.constant 16 : i32
      %add3A_665 = arith.addi %mul3A_652, %add3A_664 : i32
      %get3A_666 = arith.index_cast %add3A_665 : i32 to index
      %get3A_667 = tpu.vector_load %arg5[%get3A_666] {strides = array<i32>} : memref<32000xi32, #tpu.memory_space<vmem>>, vector<16xi32>,
      %shift_left3A_668 = arith.constant 16 : i32
      %shift_left3A_669 = vector.broadcast %shift_left3A_668 : i32 to vector<16xi32>
      %shift_left3A_670 = arith.shli %get3A_667, %shift_left3A_669 : vector<16xi32>
      %bitcast_convert_type3A_671 = tpu.bitcast %shift_left3A_670 : vector<16xi32> -> vector<16xf32>
      %bitcast_convert_type3A_672 = tpu.bitcast %get3A_667 : vector<16xi32> -> vector<16xf32>
      %add3A_673 = arith.addf %add3A_647, %bitcast_convert_type3A_671 : vector<16xf32>
      %add3A_674 = arith.addf %add3A_648, %bitcast_convert_type3A_672 : vector<16xf32>
      %slice3A_675 = vector.extract_strided_slice %get3A_518 {offsets = [6], sizes = [1], strides = [1]} : vector<16xi32> to vector<1xi32>
      %squeeze3A_676 = vector.extract %slice3A_675[0] : i32 from vector<1xi32>
      %mul3A_677 = arith.constant 32 : i32
      %mul3A_678 = arith.muli %squeeze3A_676, %mul3A_677 : i32
      %add3A_679 = arith.constant 0 : i32
      %add3A_680 = arith.addi %mul3A_678, %add3A_679 : i32
      %get3A_681 = arith.index_cast %add3A_680 : i32 to index
      %get3A_682 = tpu.vector_load %arg5[%get3A_681] {strides = array<i32>} : memref<32000xi32, #tpu.memory_space<vmem>>, vector<16xi32>,
      %shift_left3A_683 = arith.constant 16 : i32
      %shift_left3A_684 = vector.broadcast %shift_left3A_683 : i32 to vector<16xi32>
      %shift_left3A_685 = arith.shli %get3A_682, %shift_left3A_684 : vector<16xi32>
      %bitcast_convert_type3A_686 = tpu.bitcast %shift_left3A_685 : vector<16xi32> -> vector<16xf32>
      %bitcast_convert_type3A_687 = tpu.bitcast %get3A_682 : vector<16xi32> -> vector<16xf32>
      %add3A_688 = arith.addf %add3A_662, %bitcast_convert_type3A_686 : vector<16xf32>
      %add3A_689 = arith.addf %add3A_663, %bitcast_convert_type3A_687 : vector<16xf32>
      %add3A_690 = arith.constant 16 : i32
      %add3A_691 = arith.addi %mul3A_678, %add3A_690 : i32
      %get3A_692 = arith.index_cast %add3A_691 : i32 to index
      %get3A_693 = tpu.vector_load %arg5[%get3A_692] {strides = array<i32>} : memref<32000xi32, #tpu.memory_space<vmem>>, vector<16xi32>,
      %shift_left3A_694 = arith.constant 16 : i32
      %shift_left3A_695 = vector.broadcast %shift_left3A_694 : i32 to vector<16xi32>
      %shift_left3A_696 = arith.shli %get3A_693, %shift_left3A_695 : vector<16xi32>
      %bitcast_convert_type3A_697 = tpu.bitcast %shift_left3A_696 : vector<16xi32> -> vector<16xf32>
      %bitcast_convert_type3A_698 = tpu.bitcast %get3A_693 : vector<16xi32> -> vector<16xf32>
      %add3A_699 = arith.addf %add3A_673, %bitcast_convert_type3A_697 : vector<16xf32>
      %add3A_700 = arith.addf %add3A_674, %bitcast_convert_type3A_698 : vector<16xf32>
      %slice3A_701 = vector.extract_strided_slice %get3A_518 {offsets = [7], sizes = [1], strides = [1]} : vector<16xi32> to vector<1xi32>
      %squeeze3A_702 = vector.extract %slice3A_701[0] : i32 from vector<1xi32>
      %mul3A_703 = arith.constant 32 : i32
      %mul3A_704 = arith.muli %squeeze3A_702, %mul3A_703 : i32
      %add3A_705 = arith.constant 0 : i32
      %add3A_706 = arith.addi %mul3A_704, %add3A_705 : i32
      %get3A_707 = arith.index_cast %add3A_706 : i32 to index
      %get3A_708 = tpu.vector_load %arg5[%get3A_707] {strides = array<i32>} : memref<32000xi32, #tpu.memory_space<vmem>>, vector<16xi32>,
      %shift_left3A_709 = arith.constant 16 : i32
      %shift_left3A_710 = vector.broadcast %shift_left3A_709 : i32 to vector<16xi32>
      %shift_left3A_711 = arith.shli %get3A_708, %shift_left3A_710 : vector<16xi32>
      %bitcast_convert_type3A_712 = tpu.bitcast %shift_left3A_711 : vector<16xi32> -> vector<16xf32>
      %bitcast_convert_type3A_713 = tpu.bitcast %get3A_708 : vector<16xi32> -> vector<16xf32>
      %add3A_714 = arith.addf %add3A_688, %bitcast_convert_type3A_712 : vector<16xf32>
      %add3A_715 = arith.addf %add3A_689, %bitcast_convert_type3A_713 : vector<16xf32>
      %add3A_716 = arith.constant 16 : i32
      %add3A_717 = arith.addi %mul3A_704, %add3A_716 : i32
      %get3A_718 = arith.index_cast %add3A_717 : i32 to index
      %get3A_719 = tpu.vector_load %arg5[%get3A_718] {strides = array<i32>} : memref<32000xi32, #tpu.memory_space<vmem>>, vector<16xi32>,
      %shift_left3A_720 = arith.constant 16 : i32
      %shift_left3A_721 = vector.broadcast %shift_left3A_720 : i32 to vector<16xi32>
      %shift_left3A_722 = arith.shli %get3A_719, %shift_left3A_721 : vector<16xi32>
      %bitcast_convert_type3A_723 = tpu.bitcast %shift_left3A_722 : vector<16xi32> -> vector<16xf32>
      %bitcast_convert_type3A_724 = tpu.bitcast %get3A_719 : vector<16xi32> -> vector<16xf32>
      %add3A_725 = arith.addf %add3A_699, %bitcast_convert_type3A_723 : vector<16xf32>
      %add3A_726 = arith.addf %add3A_700, %bitcast_convert_type3A_724 : vector<16xf32>
      %slice3A_727 = vector.extract_strided_slice %get3A_518 {offsets = [8], sizes = [1], strides = [1]} : vector<16xi32> to vector<1xi32>
      %squeeze3A_728 = vector.extract %slice3A_727[0] : i32 from vector<1xi32>
      %mul3A_729 = arith.constant 32 : i32
      %mul3A_730 = arith.muli %squeeze3A_728, %mul3A_729 : i32
      %add3A_731 = arith.constant 0 : i32
      %add3A_732 = arith.addi %mul3A_730, %add3A_731 : i32
      %get3A_733 = arith.index_cast %add3A_732 : i32 to index
      %get3A_734 = tpu.vector_load %arg5[%get3A_733] {strides = array<i32>} : memref<32000xi32, #tpu.memory_space<vmem>>, vector<16xi32>,
      %shift_left3A_735 = arith.constant 16 : i32
      %shift_left3A_736 = vector.broadcast %shift_left3A_735 : i32 to vector<16xi32>
      %shift_left3A_737 = arith.shli %get3A_734, %shift_left3A_736 : vector<16xi32>
      %bitcast_convert_type3A_738 = tpu.bitcast %shift_left3A_737 : vector<16xi32> -> vector<16xf32>
      %bitcast_convert_type3A_739 = tpu.bitcast %get3A_734 : vector<16xi32> -> vector<16xf32>
      %add3A_740 = arith.addf %add3A_714, %bitcast_convert_type3A_738 : vector<16xf32>
      %add3A_741 = arith.addf %add3A_715, %bitcast_convert_type3A_739 : vector<16xf32>
      %add3A_742 = arith.constant 16 : i32
      %add3A_743 = arith.addi %mul3A_730, %add3A_742 : i32
      %get3A_744 = arith.index_cast %add3A_743 : i32 to index
      %get3A_745 = tpu.vector_load %arg5[%get3A_744] {strides = array<i32>} : memref<32000xi32, #tpu.memory_space<vmem>>, vector<16xi32>,
      %shift_left3A_746 = arith.constant 16 : i32
      %shift_left3A_747 = vector.broadcast %shift_left3A_746 : i32 to vector<16xi32>
      %shift_left3A_748 = arith.shli %get3A_745, %shift_left3A_747 : vector<16xi32>
      %bitcast_convert_type3A_749 = tpu.bitcast %shift_left3A_748 : vector<16xi32> -> vector<16xf32>
      %bitcast_convert_type3A_750 = tpu.bitcast %get3A_745 : vector<16xi32> -> vector<16xf32>
      %add3A_751 = arith.addf %add3A_725, %bitcast_convert_type3A_749 : vector<16xf32>
      %add3A_752 = arith.addf %add3A_726, %bitcast_convert_type3A_750 : vector<16xf32>
      %slice3A_753 = vector.extract_strided_slice %get3A_518 {offsets = [9], sizes = [1], strides = [1]} : vector<16xi32> to vector<1xi32>
      %squeeze3A_754 = vector.extract %slice3A_753[0] : i32 from vector<1xi32>
      %mul3A_755 = arith.constant 32 : i32
      %mul3A_756 = arith.muli %squeeze3A_754, %mul3A_755 : i32
      %add3A_757 = arith.constant 0 : i32
      %add3A_758 = arith.addi %mul3A_756, %add3A_757 : i32
      %get3A_759 = arith.index_cast %add3A_758 : i32 to index
      %get3A_760 = tpu.vector_load %arg5[%get3A_759] {strides = array<i32>} : memref<32000xi32, #tpu.memory_space<vmem>>, vector<16xi32>,
      %shift_left3A_761 = arith.constant 16 : i32
      %shift_left3A_762 = vector.broadcast %shift_left3A_761 : i32 to vector<16xi32>
      %shift_left3A_763 = arith.shli %get3A_760, %shift_left3A_762 : vector<16xi32>
      %bitcast_convert_type3A_764 = tpu.bitcast %shift_left3A_763 : vector<16xi32> -> vector<16xf32>
      %bitcast_convert_type3A_765 = tpu.bitcast %get3A_760 : vector<16xi32> -> vector<16xf32>
      %add3A_766 = arith.addf %add3A_740, %bitcast_convert_type3A_764 : vector<16xf32>
      %add3A_767 = arith.addf %add3A_741, %bitcast_convert_type3A_765 : vector<16xf32>
      %add3A_768 = arith.constant 16 : i32
      %add3A_769 = arith.addi %mul3A_756, %add3A_768 : i32
      %get3A_770 = arith.index_cast %add3A_769 : i32 to index
      %get3A_771 = tpu.vector_load %arg5[%get3A_770] {strides = array<i32>} : memref<32000xi32, #tpu.memory_space<vmem>>, vector<16xi32>,
      %shift_left3A_772 = arith.constant 16 : i32
      %shift_left3A_773 = vector.broadcast %shift_left3A_772 : i32 to vector<16xi32>
      %shift_left3A_774 = arith.shli %get3A_771, %shift_left3A_773 : vector<16xi32>
      %bitcast_convert_type3A_775 = tpu.bitcast %shift_left3A_774 : vector<16xi32> -> vector<16xf32>
      %bitcast_convert_type3A_776 = tpu.bitcast %get3A_771 : vector<16xi32> -> vector<16xf32>
      %add3A_777 = arith.addf %add3A_751, %bitcast_convert_type3A_775 : vector<16xf32>
      %add3A_778 = arith.addf %add3A_752, %bitcast_convert_type3A_776 : vector<16xf32>
      %slice3A_779 = vector.extract_strided_slice %get3A_518 {offsets = [10], sizes = [1], strides = [1]} : vector<16xi32> to vector<1xi32>
      %squeeze3A_780 = vector.extract %slice3A_779[0] : i32 from vector<1xi32>
      %mul3A_781 = arith.constant 32 : i32
      %mul3A_782 = arith.muli %squeeze3A_780, %mul3A_781 : i32
      %add3A_783 = arith.constant 0 : i32
      %add3A_784 = arith.addi %mul3A_782, %add3A_783 : i32
      %get3A_785 = arith.index_cast %add3A_784 : i32 to index
      %get3A_786 = tpu.vector_load %arg5[%get3A_785] {strides = array<i32>} : memref<32000xi32, #tpu.memory_space<vmem>>, vector<16xi32>,
      %shift_left3A_787 = arith.constant 16 : i32
      %shift_left3A_788 = vector.broadcast %shift_left3A_787 : i32 to vector<16xi32>
      %shift_left3A_789 = arith.shli %get3A_786, %shift_left3A_788 : vector<16xi32>
      %bitcast_convert_type3A_790 = tpu.bitcast %shift_left3A_789 : vector<16xi32> -> vector<16xf32>
      %bitcast_convert_type3A_791 = tpu.bitcast %get3A_786 : vector<16xi32> -> vector<16xf32>
      %add3A_792 = arith.addf %add3A_766, %bitcast_convert_type3A_790 : vector<16xf32>
      %add3A_793 = arith.addf %add3A_767, %bitcast_convert_type3A_791 : vector<16xf32>
      %add3A_794 = arith.constant 16 : i32
      %add3A_795 = arith.addi %mul3A_782, %add3A_794 : i32
      %get3A_796 = arith.index_cast %add3A_795 : i32 to index
      %get3A_797 = tpu.vector_load %arg5[%get3A_796] {strides = array<i32>} : memref<32000xi32, #tpu.memory_space<vmem>>, vector<16xi32>,
      %shift_left3A_798 = arith.constant 16 : i32
      %shift_left3A_799 = vector.broadcast %shift_left3A_798 : i32 to vector<16xi32>
      %shift_left3A_800 = arith.shli %get3A_797, %shift_left3A_799 : vector<16xi32>
      %bitcast_convert_type3A_801 = tpu.bitcast %shift_left3A_800 : vector<16xi32> -> vector<16xf32>
      %bitcast_convert_type3A_802 = tpu.bitcast %get3A_797 : vector<16xi32> -> vector<16xf32>
      %add3A_803 = arith.addf %add3A_777, %bitcast_convert_type3A_801 : vector<16xf32>
      %add3A_804 = arith.addf %add3A_778, %bitcast_convert_type3A_802 : vector<16xf32>
      %slice3A_805 = vector.extract_strided_slice %get3A_518 {offsets = [11], sizes = [1], strides = [1]} : vector<16xi32> to vector<1xi32>
      %squeeze3A_806 = vector.extract %slice3A_805[0] : i32 from vector<1xi32>
      %mul3A_807 = arith.constant 32 : i32
      %mul3A_808 = arith.muli %squeeze3A_806, %mul3A_807 : i32
      %add3A_809 = arith.constant 0 : i32
      %add3A_810 = arith.addi %mul3A_808, %add3A_809 : i32
      %get3A_811 = arith.index_cast %add3A_810 : i32 to index
      %get3A_812 = tpu.vector_load %arg5[%get3A_811] {strides = array<i32>} : memref<32000xi32, #tpu.memory_space<vmem>>, vector<16xi32>,
      %shift_left3A_813 = arith.constant 16 : i32
      %shift_left3A_814 = vector.broadcast %shift_left3A_813 : i32 to vector<16xi32>
      %shift_left3A_815 = arith.shli %get3A_812, %shift_left3A_814 : vector<16xi32>
      %bitcast_convert_type3A_816 = tpu.bitcast %shift_left3A_815 : vector<16xi32> -> vector<16xf32>
      %bitcast_convert_type3A_817 = tpu.bitcast %get3A_812 : vector<16xi32> -> vector<16xf32>
      %add3A_818 = arith.addf %add3A_792, %bitcast_convert_type3A_816 : vector<16xf32>
      %add3A_819 = arith.addf %add3A_793, %bitcast_convert_type3A_817 : vector<16xf32>
      %add3A_820 = arith.constant 16 : i32
      %add3A_821 = arith.addi %mul3A_808, %add3A_820 : i32
      %get3A_822 = arith.index_cast %add3A_821 : i32 to index
      %get3A_823 = tpu.vector_load %arg5[%get3A_822] {strides = array<i32>} : memref<32000xi32, #tpu.memory_space<vmem>>, vector<16xi32>,
      %shift_left3A_824 = arith.constant 16 : i32
      %shift_left3A_825 = vector.broadcast %shift_left3A_824 : i32 to vector<16xi32>
      %shift_left3A_826 = arith.shli %get3A_823, %shift_left3A_825 : vector<16xi32>
      %bitcast_convert_type3A_827 = tpu.bitcast %shift_left3A_826 : vector<16xi32> -> vector<16xf32>
      %bitcast_convert_type3A_828 = tpu.bitcast %get3A_823 : vector<16xi32> -> vector<16xf32>
      %add3A_829 = arith.addf %add3A_803, %bitcast_convert_type3A_827 : vector<16xf32>
      %add3A_830 = arith.addf %add3A_804, %bitcast_convert_type3A_828 : vector<16xf32>
      %slice3A_831 = vector.extract_strided_slice %get3A_518 {offsets = [12], sizes = [1], strides = [1]} : vector<16xi32> to vector<1xi32>
      %squeeze3A_832 = vector.extract %slice3A_831[0] : i32 from vector<1xi32>
      %mul3A_833 = arith.constant 32 : i32
      %mul3A_834 = arith.muli %squeeze3A_832, %mul3A_833 : i32
      %add3A_835 = arith.constant 0 : i32
      %add3A_836 = arith.addi %mul3A_834, %add3A_835 : i32
      %get3A_837 = arith.index_cast %add3A_836 : i32 to index
      %get3A_838 = tpu.vector_load %arg5[%get3A_837] {strides = array<i32>} : memref<32000xi32, #tpu.memory_space<vmem>>, vector<16xi32>,
      %shift_left3A_839 = arith.constant 16 : i32
      %shift_left3A_840 = vector.broadcast %shift_left3A_839 : i32 to vector<16xi32>
      %shift_left3A_841 = arith.shli %get3A_838, %shift_left3A_840 : vector<16xi32>
      %bitcast_convert_type3A_842 = tpu.bitcast %shift_left3A_841 : vector<16xi32> -> vector<16xf32>
      %bitcast_convert_type3A_843 = tpu.bitcast %get3A_838 : vector<16xi32> -> vector<16xf32>
      %add3A_844 = arith.addf %add3A_818, %bitcast_convert_type3A_842 : vector<16xf32>
      %add3A_845 = arith.addf %add3A_819, %bitcast_convert_type3A_843 : vector<16xf32>
      %add3A_846 = arith.constant 16 : i32
      %add3A_847 = arith.addi %mul3A_834, %add3A_846 : i32
      %get3A_848 = arith.index_cast %add3A_847 : i32 to index
      %get3A_849 = tpu.vector_load %arg5[%get3A_848] {strides = array<i32>} : memref<32000xi32, #tpu.memory_space<vmem>>, vector<16xi32>,
      %shift_left3A_850 = arith.constant 16 : i32
      %shift_left3A_851 = vector.broadcast %shift_left3A_850 : i32 to vector<16xi32>
      %shift_left3A_852 = arith.shli %get3A_849, %shift_left3A_851 : vector<16xi32>
      %bitcast_convert_type3A_853 = tpu.bitcast %shift_left3A_852 : vector<16xi32> -> vector<16xf32>
      %bitcast_convert_type3A_854 = tpu.bitcast %get3A_849 : vector<16xi32> -> vector<16xf32>
      %add3A_855 = arith.addf %add3A_829, %bitcast_convert_type3A_853 : vector<16xf32>
      %add3A_856 = arith.addf %add3A_830, %bitcast_convert_type3A_854 : vector<16xf32>
      %slice3A_857 = vector.extract_strided_slice %get3A_518 {offsets = [13], sizes = [1], strides = [1]} : vector<16xi32> to vector<1xi32>
      %squeeze3A_858 = vector.extract %slice3A_857[0] : i32 from vector<1xi32>
      %mul3A_859 = arith.constant 32 : i32
      %mul3A_860 = arith.muli %squeeze3A_858, %mul3A_859 : i32
      %add3A_861 = arith.constant 0 : i32
      %add3A_862 = arith.addi %mul3A_860, %add3A_861 : i32
      %get3A_863 = arith.index_cast %add3A_862 : i32 to index
      %get3A_864 = tpu.vector_load %arg5[%get3A_863] {strides = array<i32>} : memref<32000xi32, #tpu.memory_space<vmem>>, vector<16xi32>,
      %shift_left3A_865 = arith.constant 16 : i32
      %shift_left3A_866 = vector.broadcast %shift_left3A_865 : i32 to vector<16xi32>
      %shift_left3A_867 = arith.shli %get3A_864, %shift_left3A_866 : vector<16xi32>
      %bitcast_convert_type3A_868 = tpu.bitcast %shift_left3A_867 : vector<16xi32> -> vector<16xf32>
      %bitcast_convert_type3A_869 = tpu.bitcast %get3A_864 : vector<16xi32> -> vector<16xf32>
      %add3A_870 = arith.addf %add3A_844, %bitcast_convert_type3A_868 : vector<16xf32>
      %add3A_871 = arith.addf %add3A_845, %bitcast_convert_type3A_869 : vector<16xf32>
      %add3A_872 = arith.constant 16 : i32
      %add3A_873 = arith.addi %mul3A_860, %add3A_872 : i32
      %get3A_874 = arith.index_cast %add3A_873 : i32 to index
      %get3A_875 = tpu.vector_load %arg5[%get3A_874] {strides = array<i32>} : memref<32000xi32, #tpu.memory_space<vmem>>, vector<16xi32>,
      %shift_left3A_876 = arith.constant 16 : i32
      %shift_left3A_877 = vector.broadcast %shift_left3A_876 : i32 to vector<16xi32>
      %shift_left3A_878 = arith.shli %get3A_875, %shift_left3A_877 : vector<16xi32>
      %bitcast_convert_type3A_879 = tpu.bitcast %shift_left3A_878 : vector<16xi32> -> vector<16xf32>
      %bitcast_convert_type3A_880 = tpu.bitcast %get3A_875 : vector<16xi32> -> vector<16xf32>
      %add3A_881 = arith.addf %add3A_855, %bitcast_convert_type3A_879 : vector<16xf32>
      %add3A_882 = arith.addf %add3A_856, %bitcast_convert_type3A_880 : vector<16xf32>
      %slice3A_883 = vector.extract_strided_slice %get3A_518 {offsets = [14], sizes = [1], strides = [1]} : vector<16xi32> to vector<1xi32>
      %squeeze3A_884 = vector.extract %slice3A_883[0] : i32 from vector<1xi32>
      %mul3A_885 = arith.constant 32 : i32
      %mul3A_886 = arith.muli %squeeze3A_884, %mul3A_885 : i32
      %add3A_887 = arith.constant 0 : i32
      %add3A_888 = arith.addi %mul3A_886, %add3A_887 : i32
      %get3A_889 = arith.index_cast %add3A_888 : i32 to index
      %get3A_890 = tpu.vector_load %arg5[%get3A_889] {strides = array<i32>} : memref<32000xi32, #tpu.memory_space<vmem>>, vector<16xi32>,
      %shift_left3A_891 = arith.constant 16 : i32
      %shift_left3A_892 = vector.broadcast %shift_left3A_891 : i32 to vector<16xi32>
      %shift_left3A_893 = arith.shli %get3A_890, %shift_left3A_892 : vector<16xi32>
      %bitcast_convert_type3A_894 = tpu.bitcast %shift_left3A_893 : vector<16xi32> -> vector<16xf32>
      %bitcast_convert_type3A_895 = tpu.bitcast %get3A_890 : vector<16xi32> -> vector<16xf32>
      %add3A_896 = arith.addf %add3A_870, %bitcast_convert_type3A_894 : vector<16xf32>
      %add3A_897 = arith.addf %add3A_871, %bitcast_convert_type3A_895 : vector<16xf32>
      %add3A_898 = arith.constant 16 : i32
      %add3A_899 = arith.addi %mul3A_886, %add3A_898 : i32
      %get3A_900 = arith.index_cast %add3A_899 : i32 to index
      %get3A_901 = tpu.vector_load %arg5[%get3A_900] {strides = array<i32>} : memref<32000xi32, #tpu.memory_space<vmem>>, vector<16xi32>,
      %shift_left3A_902 = arith.constant 16 : i32
      %shift_left3A_903 = vector.broadcast %shift_left3A_902 : i32 to vector<16xi32>
      %shift_left3A_904 = arith.shli %get3A_901, %shift_left3A_903 : vector<16xi32>
      %bitcast_convert_type3A_905 = tpu.bitcast %shift_left3A_904 : vector<16xi32> -> vector<16xf32>
      %bitcast_convert_type3A_906 = tpu.bitcast %get3A_901 : vector<16xi32> -> vector<16xf32>
      %add3A_907 = arith.addf %add3A_881, %bitcast_convert_type3A_905 : vector<16xf32>
      %add3A_908 = arith.addf %add3A_882, %bitcast_convert_type3A_906 : vector<16xf32>
      %slice3A_909 = vector.extract_strided_slice %get3A_518 {offsets = [15], sizes = [1], strides = [1]} : vector<16xi32> to vector<1xi32>
      %squeeze3A_910 = vector.extract %slice3A_909[0] : i32 from vector<1xi32>
      %mul3A_911 = arith.constant 32 : i32
      %mul3A_912 = arith.muli %squeeze3A_910, %mul3A_911 : i32
      %add3A_913 = arith.constant 0 : i32
      %add3A_914 = arith.addi %mul3A_912, %add3A_913 : i32
      %get3A_915 = arith.index_cast %add3A_914 : i32 to index
      %get3A_916 = tpu.vector_load %arg5[%get3A_915] {strides = array<i32>} : memref<32000xi32, #tpu.memory_space<vmem>>, vector<16xi32>,
      %shift_left3A_917 = arith.constant 16 : i32
      %shift_left3A_918 = vector.broadcast %shift_left3A_917 : i32 to vector<16xi32>
      %shift_left3A_919 = arith.shli %get3A_916, %shift_left3A_918 : vector<16xi32>
      %bitcast_convert_type3A_920 = tpu.bitcast %shift_left3A_919 : vector<16xi32> -> vector<16xf32>
      %bitcast_convert_type3A_921 = tpu.bitcast %get3A_916 : vector<16xi32> -> vector<16xf32>
      %add3A_922 = arith.addf %add3A_896, %bitcast_convert_type3A_920 : vector<16xf32>
      %add3A_923 = arith.addf %add3A_897, %bitcast_convert_type3A_921 : vector<16xf32>
      %add3A_924 = arith.constant 16 : i32
      %add3A_925 = arith.addi %mul3A_912, %add3A_924 : i32
      %get3A_926 = arith.index_cast %add3A_925 : i32 to index
      %get3A_927 = tpu.vector_load %arg5[%get3A_926] {strides = array<i32>} : memref<32000xi32, #tpu.memory_space<vmem>>, vector<16xi32>,
      %shift_left3A_928 = arith.constant 16 : i32
      %shift_left3A_929 = vector.broadcast %shift_left3A_928 : i32 to vector<16xi32>
      %shift_left3A_930 = arith.shli %get3A_927, %shift_left3A_929 : vector<16xi32>
      %bitcast_convert_type3A_931 = tpu.bitcast %shift_left3A_930 : vector<16xi32> -> vector<16xf32>
      %bitcast_convert_type3A_932 = tpu.bitcast %get3A_927 : vector<16xi32> -> vector<16xf32>
      %add3A_933 = arith.addf %add3A_907, %bitcast_convert_type3A_931 : vector<16xf32>
      %add3A_934 = arith.addf %add3A_908, %bitcast_convert_type3A_932 : vector<16xf32>
      %mul3A_935 = arith.constant 51 : i32
      %mul3A_936 = arith.muli %scan3A_88, %mul3A_935 : i32
      %add3A_937 = arith.constant 32 : i32
      %add3A_938 = arith.addi %mul3A_936, %add3A_937 : i32
      %get3A_939 = arith.index_cast %add3A_938 : i32 to index
      %get3A_940 = tpu.vector_load %arg9[%get3A_939] {strides = array<i32>} : memref<6544xi32, #tpu.memory_space<vmem>>, vector<16xi32>,
      %slice3A_941 = vector.extract_strided_slice %get3A_940 {offsets = [0], sizes = [1], strides = [1]} : vector<16xi32> to vector<1xi32>
      %squeeze3A_942 = vector.extract %slice3A_941[0] : i32 from vector<1xi32>
      %mul3A_943 = arith.constant 32 : i32
      %mul3A_944 = arith.muli %squeeze3A_942, %mul3A_943 : i32
      %add3A_945 = arith.constant 0 : i32
      %add3A_946 = arith.addi %mul3A_944, %add3A_945 : i32
      %get3A_947 = arith.index_cast %add3A_946 : i32 to index
      %get3A_948 = tpu.vector_load %arg5[%get3A_947] {strides = array<i32>} : memref<32000xi32, #tpu.memory_space<vmem>>, vector<16xi32>,
      %shift_left3A_949 = arith.constant 16 : i32
      %shift_left3A_950 = vector.broadcast %shift_left3A_949 : i32 to vector<16xi32>
      %shift_left3A_951 = arith.shli %get3A_948, %shift_left3A_950 : vector<16xi32>
      %bitcast_convert_type3A_952 = tpu.bitcast %shift_left3A_951 : vector<16xi32> -> vector<16xf32>
      %bitcast_convert_type3A_953 = tpu.bitcast %get3A_948 : vector<16xi32> -> vector<16xf32>
      %add3A_954 = arith.addf %add3A_922, %bitcast_convert_type3A_952 : vector<16xf32>
      %add3A_955 = arith.addf %add3A_923, %bitcast_convert_type3A_953 : vector<16xf32>
      %add3A_956 = arith.constant 16 : i32
      %add3A_957 = arith.addi %mul3A_944, %add3A_956 : i32
      %get3A_958 = arith.index_cast %add3A_957 : i32 to index
      %get3A_959 = tpu.vector_load %arg5[%get3A_958] {strides = array<i32>} : memref<32000xi32, #tpu.memory_space<vmem>>, vector<16xi32>,
      %shift_left3A_960 = arith.constant 16 : i32
      %shift_left3A_961 = vector.broadcast %shift_left3A_960 : i32 to vector<16xi32>
      %shift_left3A_962 = arith.shli %get3A_959, %shift_left3A_961 : vector<16xi32>
      %bitcast_convert_type3A_963 = tpu.bitcast %shift_left3A_962 : vector<16xi32> -> vector<16xf32>
      %bitcast_convert_type3A_964 = tpu.bitcast %get3A_959 : vector<16xi32> -> vector<16xf32>
      %add3A_965 = arith.addf %add3A_933, %bitcast_convert_type3A_963 : vector<16xf32>
      %add3A_966 = arith.addf %add3A_934, %bitcast_convert_type3A_964 : vector<16xf32>
      %slice3A_967 = vector.extract_strided_slice %get3A_940 {offsets = [1], sizes = [1], strides = [1]} : vector<16xi32> to vector<1xi32>
      %squeeze3A_968 = vector.extract %slice3A_967[0] : i32 from vector<1xi32>
      %mul3A_969 = arith.constant 32 : i32
      %mul3A_970 = arith.muli %squeeze3A_968, %mul3A_969 : i32
      %add3A_971 = arith.constant 0 : i32
      %add3A_972 = arith.addi %mul3A_970, %add3A_971 : i32
      %get3A_973 = arith.index_cast %add3A_972 : i32 to index
      %get3A_974 = tpu.vector_load %arg5[%get3A_973] {strides = array<i32>} : memref<32000xi32, #tpu.memory_space<vmem>>, vector<16xi32>,
      %shift_left3A_975 = arith.constant 16 : i32
      %shift_left3A_976 = vector.broadcast %shift_left3A_975 : i32 to vector<16xi32>
      %shift_left3A_977 = arith.shli %get3A_974, %shift_left3A_976 : vector<16xi32>
      %bitcast_convert_type3A_978 = tpu.bitcast %shift_left3A_977 : vector<16xi32> -> vector<16xf32>
      %bitcast_convert_type3A_979 = tpu.bitcast %get3A_974 : vector<16xi32> -> vector<16xf32>
      %add3A_980 = arith.addf %add3A_954, %bitcast_convert_type3A_978 : vector<16xf32>
      %add3A_981 = arith.addf %add3A_955, %bitcast_convert_type3A_979 : vector<16xf32>
      %add3A_982 = arith.constant 16 : i32
      %add3A_983 = arith.addi %mul3A_970, %add3A_982 : i32
      %get3A_984 = arith.index_cast %add3A_983 : i32 to index
      %get3A_985 = tpu.vector_load %arg5[%get3A_984] {strides = array<i32>} : memref<32000xi32, #tpu.memory_space<vmem>>, vector<16xi32>,
      %shift_left3A_986 = arith.constant 16 : i32
      %shift_left3A_987 = vector.broadcast %shift_left3A_986 : i32 to vector<16xi32>
      %shift_left3A_988 = arith.shli %get3A_985, %shift_left3A_987 : vector<16xi32>
      %bitcast_convert_type3A_989 = tpu.bitcast %shift_left3A_988 : vector<16xi32> -> vector<16xf32>
      %bitcast_convert_type3A_990 = tpu.bitcast %get3A_985 : vector<16xi32> -> vector<16xf32>
      %add3A_991 = arith.addf %add3A_965, %bitcast_convert_type3A_989 : vector<16xf32>
      %add3A_992 = arith.addf %add3A_966, %bitcast_convert_type3A_990 : vector<16xf32>
      %slice3A_993 = vector.extract_strided_slice %get3A_940 {offsets = [2], sizes = [1], strides = [1]} : vector<16xi32> to vector<1xi32>
      %squeeze3A_994 = vector.extract %slice3A_993[0] : i32 from vector<1xi32>
      %mul3A_995 = arith.constant 32 : i32
      %mul3A_996 = arith.muli %squeeze3A_994, %mul3A_995 : i32
      %add3A_997 = arith.constant 0 : i32
      %add3A_998 = arith.addi %mul3A_996, %add3A_997 : i32
      %get3A_999 = arith.index_cast %add3A_998 : i32 to index
      %get3A_1000 = tpu.vector_load %arg5[%get3A_999] {strides = array<i32>} : memref<32000xi32, #tpu.memory_space<vmem>>, vector<16xi32>,
      %shift_left3A_1001 = arith.constant 16 : i32
      %shift_left3A_1002 = vector.broadcast %shift_left3A_1001 : i32 to vector<16xi32>
      %shift_left3A_1003 = arith.shli %get3A_1000, %shift_left3A_1002 : vector<16xi32>
      %bitcast_convert_type3A_1004 = tpu.bitcast %shift_left3A_1003 : vector<16xi32> -> vector<16xf32>
      %bitcast_convert_type3A_1005 = tpu.bitcast %get3A_1000 : vector<16xi32> -> vector<16xf32>
      %add3A_1006 = arith.addf %add3A_980, %bitcast_convert_type3A_1004 : vector<16xf32>
      %add3A_1007 = arith.addf %add3A_981, %bitcast_convert_type3A_1005 : vector<16xf32>
      %add3A_1008 = arith.constant 16 : i32
      %add3A_1009 = arith.addi %mul3A_996, %add3A_1008 : i32
      %get3A_1010 = arith.index_cast %add3A_1009 : i32 to index
      %get3A_1011 = tpu.vector_load %arg5[%get3A_1010] {strides = array<i32>} : memref<32000xi32, #tpu.memory_space<vmem>>, vector<16xi32>,
      %shift_left3A_1012 = arith.constant 16 : i32
      %shift_left3A_1013 = vector.broadcast %shift_left3A_1012 : i32 to vector<16xi32>
      %shift_left3A_1014 = arith.shli %get3A_1011, %shift_left3A_1013 : vector<16xi32>
      %bitcast_convert_type3A_1015 = tpu.bitcast %shift_left3A_1014 : vector<16xi32> -> vector<16xf32>
      %bitcast_convert_type3A_1016 = tpu.bitcast %get3A_1011 : vector<16xi32> -> vector<16xf32>
      %add3A_1017 = arith.addf %add3A_991, %bitcast_convert_type3A_1015 : vector<16xf32>
      %add3A_1018 = arith.addf %add3A_992, %bitcast_convert_type3A_1016 : vector<16xf32>
      %slice3A_1019 = vector.extract_strided_slice %get3A_940 {offsets = [3], sizes = [1], strides = [1]} : vector<16xi32> to vector<1xi32>
      %squeeze3A_1020 = vector.extract %slice3A_1019[0] : i32 from vector<1xi32>
      %mul3A_1021 = arith.constant 32 : i32
      %mul3A_1022 = arith.muli %squeeze3A_1020, %mul3A_1021 : i32
      %add3A_1023 = arith.constant 0 : i32
      %add3A_1024 = arith.addi %mul3A_1022, %add3A_1023 : i32
      %get3A_1025 = arith.index_cast %add3A_1024 : i32 to index
      %get3A_1026 = tpu.vector_load %arg5[%get3A_1025] {strides = array<i32>} : memref<32000xi32, #tpu.memory_space<vmem>>, vector<16xi32>,
      %shift_left3A_1027 = arith.constant 16 : i32
      %shift_left3A_1028 = vector.broadcast %shift_left3A_1027 : i32 to vector<16xi32>
      %shift_left3A_1029 = arith.shli %get3A_1026, %shift_left3A_1028 : vector<16xi32>
      %bitcast_convert_type3A_1030 = tpu.bitcast %shift_left3A_1029 : vector<16xi32> -> vector<16xf32>
      %bitcast_convert_type3A_1031 = tpu.bitcast %get3A_1026 : vector<16xi32> -> vector<16xf32>
      %add3A_1032 = arith.addf %add3A_1006, %bitcast_convert_type3A_1030 : vector<16xf32>
      %add3A_1033 = arith.addf %add3A_1007, %bitcast_convert_type3A_1031 : vector<16xf32>
      %add3A_1034 = arith.constant 16 : i32
      %add3A_1035 = arith.addi %mul3A_1022, %add3A_1034 : i32
      %get3A_1036 = arith.index_cast %add3A_1035 : i32 to index
      %get3A_1037 = tpu.vector_load %arg5[%get3A_1036] {strides = array<i32>} : memref<32000xi32, #tpu.memory_space<vmem>>, vector<16xi32>,
      %shift_left3A_1038 = arith.constant 16 : i32
      %shift_left3A_1039 = vector.broadcast %shift_left3A_1038 : i32 to vector<16xi32>
      %shift_left3A_1040 = arith.shli %get3A_1037, %shift_left3A_1039 : vector<16xi32>
      %bitcast_convert_type3A_1041 = tpu.bitcast %shift_left3A_1040 : vector<16xi32> -> vector<16xf32>
      %bitcast_convert_type3A_1042 = tpu.bitcast %get3A_1037 : vector<16xi32> -> vector<16xf32>
      %add3A_1043 = arith.addf %add3A_1017, %bitcast_convert_type3A_1041 : vector<16xf32>
      %add3A_1044 = arith.addf %add3A_1018, %bitcast_convert_type3A_1042 : vector<16xf32>
      %slice3A_1045 = vector.extract_strided_slice %get3A_940 {offsets = [4], sizes = [1], strides = [1]} : vector<16xi32> to vector<1xi32>
      %squeeze3A_1046 = vector.extract %slice3A_1045[0] : i32 from vector<1xi32>
      %mul3A_1047 = arith.constant 32 : i32
      %mul3A_1048 = arith.muli %squeeze3A_1046, %mul3A_1047 : i32
      %add3A_1049 = arith.constant 0 : i32
      %add3A_1050 = arith.addi %mul3A_1048, %add3A_1049 : i32
      %get3A_1051 = arith.index_cast %add3A_1050 : i32 to index
      %get3A_1052 = tpu.vector_load %arg5[%get3A_1051] {strides = array<i32>} : memref<32000xi32, #tpu.memory_space<vmem>>, vector<16xi32>,
      %shift_left3A_1053 = arith.constant 16 : i32
      %shift_left3A_1054 = vector.broadcast %shift_left3A_1053 : i32 to vector<16xi32>
      %shift_left3A_1055 = arith.shli %get3A_1052, %shift_left3A_1054 : vector<16xi32>
      %bitcast_convert_type3A_1056 = tpu.bitcast %shift_left3A_1055 : vector<16xi32> -> vector<16xf32>
      %bitcast_convert_type3A_1057 = tpu.bitcast %get3A_1052 : vector<16xi32> -> vector<16xf32>
      %add3A_1058 = arith.addf %add3A_1032, %bitcast_convert_type3A_1056 : vector<16xf32>
      %add3A_1059 = arith.addf %add3A_1033, %bitcast_convert_type3A_1057 : vector<16xf32>
      %add3A_1060 = arith.constant 16 : i32
      %add3A_1061 = arith.addi %mul3A_1048, %add3A_1060 : i32
      %get3A_1062 = arith.index_cast %add3A_1061 : i32 to index
      %get3A_1063 = tpu.vector_load %arg5[%get3A_1062] {strides = array<i32>} : memref<32000xi32, #tpu.memory_space<vmem>>, vector<16xi32>,
      %shift_left3A_1064 = arith.constant 16 : i32
      %shift_left3A_1065 = vector.broadcast %shift_left3A_1064 : i32 to vector<16xi32>
      %shift_left3A_1066 = arith.shli %get3A_1063, %shift_left3A_1065 : vector<16xi32>
      %bitcast_convert_type3A_1067 = tpu.bitcast %shift_left3A_1066 : vector<16xi32> -> vector<16xf32>
      %bitcast_convert_type3A_1068 = tpu.bitcast %get3A_1063 : vector<16xi32> -> vector<16xf32>
      %add3A_1069 = arith.addf %add3A_1043, %bitcast_convert_type3A_1067 : vector<16xf32>
      %add3A_1070 = arith.addf %add3A_1044, %bitcast_convert_type3A_1068 : vector<16xf32>
      %slice3A_1071 = vector.extract_strided_slice %get3A_940 {offsets = [5], sizes = [1], strides = [1]} : vector<16xi32> to vector<1xi32>
      %squeeze3A_1072 = vector.extract %slice3A_1071[0] : i32 from vector<1xi32>
      %mul3A_1073 = arith.constant 32 : i32
      %mul3A_1074 = arith.muli %squeeze3A_1072, %mul3A_1073 : i32
      %add3A_1075 = arith.constant 0 : i32
      %add3A_1076 = arith.addi %mul3A_1074, %add3A_1075 : i32
      %get3A_1077 = arith.index_cast %add3A_1076 : i32 to index
      %get3A_1078 = tpu.vector_load %arg5[%get3A_1077] {strides = array<i32>} : memref<32000xi32, #tpu.memory_space<vmem>>, vector<16xi32>,
      %shift_left3A_1079 = arith.constant 16 : i32
      %shift_left3A_1080 = vector.broadcast %shift_left3A_1079 : i32 to vector<16xi32>
      %shift_left3A_1081 = arith.shli %get3A_1078, %shift_left3A_1080 : vector<16xi32>
      %bitcast_convert_type3A_1082 = tpu.bitcast %shift_left3A_1081 : vector<16xi32> -> vector<16xf32>
      %bitcast_convert_type3A_1083 = tpu.bitcast %get3A_1078 : vector<16xi32> -> vector<16xf32>
      %add3A_1084 = arith.addf %add3A_1058, %bitcast_convert_type3A_1082 : vector<16xf32>
      %add3A_1085 = arith.addf %add3A_1059, %bitcast_convert_type3A_1083 : vector<16xf32>
      %add3A_1086 = arith.constant 16 : i32
      %add3A_1087 = arith.addi %mul3A_1074, %add3A_1086 : i32
      %get3A_1088 = arith.index_cast %add3A_1087 : i32 to index
      %get3A_1089 = tpu.vector_load %arg5[%get3A_1088] {strides = array<i32>} : memref<32000xi32, #tpu.memory_space<vmem>>, vector<16xi32>,
      %shift_left3A_1090 = arith.constant 16 : i32
      %shift_left3A_1091 = vector.broadcast %shift_left3A_1090 : i32 to vector<16xi32>
      %shift_left3A_1092 = arith.shli %get3A_1089, %shift_left3A_1091 : vector<16xi32>
      %bitcast_convert_type3A_1093 = tpu.bitcast %shift_left3A_1092 : vector<16xi32> -> vector<16xf32>
      %bitcast_convert_type3A_1094 = tpu.bitcast %get3A_1089 : vector<16xi32> -> vector<16xf32>
      %add3A_1095 = arith.addf %add3A_1069, %bitcast_convert_type3A_1093 : vector<16xf32>
      %add3A_1096 = arith.addf %add3A_1070, %bitcast_convert_type3A_1094 : vector<16xf32>
      %slice3A_1097 = vector.extract_strided_slice %get3A_940 {offsets = [6], sizes = [1], strides = [1]} : vector<16xi32> to vector<1xi32>
      %squeeze3A_1098 = vector.extract %slice3A_1097[0] : i32 from vector<1xi32>
      %mul3A_1099 = arith.constant 32 : i32
      %mul3A_1100 = arith.muli %squeeze3A_1098, %mul3A_1099 : i32
      %add3A_1101 = arith.constant 0 : i32
      %add3A_1102 = arith.addi %mul3A_1100, %add3A_1101 : i32
      %get3A_1103 = arith.index_cast %add3A_1102 : i32 to index
      %get3A_1104 = tpu.vector_load %arg5[%get3A_1103] {strides = array<i32>} : memref<32000xi32, #tpu.memory_space<vmem>>, vector<16xi32>,
      %shift_left3A_1105 = arith.constant 16 : i32
      %shift_left3A_1106 = vector.broadcast %shift_left3A_1105 : i32 to vector<16xi32>
      %shift_left3A_1107 = arith.shli %get3A_1104, %shift_left3A_1106 : vector<16xi32>
      %bitcast_convert_type3A_1108 = tpu.bitcast %shift_left3A_1107 : vector<16xi32> -> vector<16xf32>
      %bitcast_convert_type3A_1109 = tpu.bitcast %get3A_1104 : vector<16xi32> -> vector<16xf32>
      %add3A_1110 = arith.addf %add3A_1084, %bitcast_convert_type3A_1108 : vector<16xf32>
      %add3A_1111 = arith.addf %add3A_1085, %bitcast_convert_type3A_1109 : vector<16xf32>
      %add3A_1112 = arith.constant 16 : i32
      %add3A_1113 = arith.addi %mul3A_1100, %add3A_1112 : i32
      %get3A_1114 = arith.index_cast %add3A_1113 : i32 to index
      %get3A_1115 = tpu.vector_load %arg5[%get3A_1114] {strides = array<i32>} : memref<32000xi32, #tpu.memory_space<vmem>>, vector<16xi32>,
      %shift_left3A_1116 = arith.constant 16 : i32
      %shift_left3A_1117 = vector.broadcast %shift_left3A_1116 : i32 to vector<16xi32>
      %shift_left3A_1118 = arith.shli %get3A_1115, %shift_left3A_1117 : vector<16xi32>
      %bitcast_convert_type3A_1119 = tpu.bitcast %shift_left3A_1118 : vector<16xi32> -> vector<16xf32>
      %bitcast_convert_type3A_1120 = tpu.bitcast %get3A_1115 : vector<16xi32> -> vector<16xf32>
      %add3A_1121 = arith.addf %add3A_1095, %bitcast_convert_type3A_1119 : vector<16xf32>
      %add3A_1122 = arith.addf %add3A_1096, %bitcast_convert_type3A_1120 : vector<16xf32>
      %slice3A_1123 = vector.extract_strided_slice %get3A_940 {offsets = [7], sizes = [1], strides = [1]} : vector<16xi32> to vector<1xi32>
      %squeeze3A_1124 = vector.extract %slice3A_1123[0] : i32 from vector<1xi32>
      %mul3A_1125 = arith.constant 32 : i32
      %mul3A_1126 = arith.muli %squeeze3A_1124, %mul3A_1125 : i32
      %add3A_1127 = arith.constant 0 : i32
      %add3A_1128 = arith.addi %mul3A_1126, %add3A_1127 : i32
      %get3A_1129 = arith.index_cast %add3A_1128 : i32 to index
      %get3A_1130 = tpu.vector_load %arg5[%get3A_1129] {strides = array<i32>} : memref<32000xi32, #tpu.memory_space<vmem>>, vector<16xi32>,
      %shift_left3A_1131 = arith.constant 16 : i32
      %shift_left3A_1132 = vector.broadcast %shift_left3A_1131 : i32 to vector<16xi32>
      %shift_left3A_1133 = arith.shli %get3A_1130, %shift_left3A_1132 : vector<16xi32>
      %bitcast_convert_type3A_1134 = tpu.bitcast %shift_left3A_1133 : vector<16xi32> -> vector<16xf32>
      %bitcast_convert_type3A_1135 = tpu.bitcast %get3A_1130 : vector<16xi32> -> vector<16xf32>
      %add3A_1136 = arith.addf %add3A_1110, %bitcast_convert_type3A_1134 : vector<16xf32>
      %add3A_1137 = arith.addf %add3A_1111, %bitcast_convert_type3A_1135 : vector<16xf32>
      %add3A_1138 = arith.constant 16 : i32
      %add3A_1139 = arith.addi %mul3A_1126, %add3A_1138 : i32
      %get3A_1140 = arith.index_cast %add3A_1139 : i32 to index
      %get3A_1141 = tpu.vector_load %arg5[%get3A_1140] {strides = array<i32>} : memref<32000xi32, #tpu.memory_space<vmem>>, vector<16xi32>,
      %shift_left3A_1142 = arith.constant 16 : i32
      %shift_left3A_1143 = vector.broadcast %shift_left3A_1142 : i32 to vector<16xi32>
      %shift_left3A_1144 = arith.shli %get3A_1141, %shift_left3A_1143 : vector<16xi32>
      %bitcast_convert_type3A_1145 = tpu.bitcast %shift_left3A_1144 : vector<16xi32> -> vector<16xf32>
      %bitcast_convert_type3A_1146 = tpu.bitcast %get3A_1141 : vector<16xi32> -> vector<16xf32>
      %add3A_1147 = arith.addf %add3A_1121, %bitcast_convert_type3A_1145 : vector<16xf32>
      %add3A_1148 = arith.addf %add3A_1122, %bitcast_convert_type3A_1146 : vector<16xf32>
      %slice3A_1149 = vector.extract_strided_slice %get3A_940 {offsets = [8], sizes = [1], strides = [1]} : vector<16xi32> to vector<1xi32>
      %squeeze3A_1150 = vector.extract %slice3A_1149[0] : i32 from vector<1xi32>
      %mul3A_1151 = arith.constant 32 : i32
      %mul3A_1152 = arith.muli %squeeze3A_1150, %mul3A_1151 : i32
      %add3A_1153 = arith.constant 0 : i32
      %add3A_1154 = arith.addi %mul3A_1152, %add3A_1153 : i32
      %get3A_1155 = arith.index_cast %add3A_1154 : i32 to index
      %get3A_1156 = tpu.vector_load %arg5[%get3A_1155] {strides = array<i32>} : memref<32000xi32, #tpu.memory_space<vmem>>, vector<16xi32>,
      %shift_left3A_1157 = arith.constant 16 : i32
      %shift_left3A_1158 = vector.broadcast %shift_left3A_1157 : i32 to vector<16xi32>
      %shift_left3A_1159 = arith.shli %get3A_1156, %shift_left3A_1158 : vector<16xi32>
      %bitcast_convert_type3A_1160 = tpu.bitcast %shift_left3A_1159 : vector<16xi32> -> vector<16xf32>
      %bitcast_convert_type3A_1161 = tpu.bitcast %get3A_1156 : vector<16xi32> -> vector<16xf32>
      %add3A_1162 = arith.addf %add3A_1136, %bitcast_convert_type3A_1160 : vector<16xf32>
      %add3A_1163 = arith.addf %add3A_1137, %bitcast_convert_type3A_1161 : vector<16xf32>
      %add3A_1164 = arith.constant 16 : i32
      %add3A_1165 = arith.addi %mul3A_1152, %add3A_1164 : i32
      %get3A_1166 = arith.index_cast %add3A_1165 : i32 to index
      %get3A_1167 = tpu.vector_load %arg5[%get3A_1166] {strides = array<i32>} : memref<32000xi32, #tpu.memory_space<vmem>>, vector<16xi32>,
      %shift_left3A_1168 = arith.constant 16 : i32
      %shift_left3A_1169 = vector.broadcast %shift_left3A_1168 : i32 to vector<16xi32>
      %shift_left3A_1170 = arith.shli %get3A_1167, %shift_left3A_1169 : vector<16xi32>
      %bitcast_convert_type3A_1171 = tpu.bitcast %shift_left3A_1170 : vector<16xi32> -> vector<16xf32>
      %bitcast_convert_type3A_1172 = tpu.bitcast %get3A_1167 : vector<16xi32> -> vector<16xf32>
      %add3A_1173 = arith.addf %add3A_1147, %bitcast_convert_type3A_1171 : vector<16xf32>
      %add3A_1174 = arith.addf %add3A_1148, %bitcast_convert_type3A_1172 : vector<16xf32>
      %slice3A_1175 = vector.extract_strided_slice %get3A_940 {offsets = [9], sizes = [1], strides = [1]} : vector<16xi32> to vector<1xi32>
      %squeeze3A_1176 = vector.extract %slice3A_1175[0] : i32 from vector<1xi32>
      %mul3A_1177 = arith.constant 32 : i32
      %mul3A_1178 = arith.muli %squeeze3A_1176, %mul3A_1177 : i32
      %add3A_1179 = arith.constant 0 : i32
      %add3A_1180 = arith.addi %mul3A_1178, %add3A_1179 : i32
      %get3A_1181 = arith.index_cast %add3A_1180 : i32 to index
      %get3A_1182 = tpu.vector_load %arg5[%get3A_1181] {strides = array<i32>} : memref<32000xi32, #tpu.memory_space<vmem>>, vector<16xi32>,
      %shift_left3A_1183 = arith.constant 16 : i32
      %shift_left3A_1184 = vector.broadcast %shift_left3A_1183 : i32 to vector<16xi32>
      %shift_left3A_1185 = arith.shli %get3A_1182, %shift_left3A_1184 : vector<16xi32>
      %bitcast_convert_type3A_1186 = tpu.bitcast %shift_left3A_1185 : vector<16xi32> -> vector<16xf32>
      %bitcast_convert_type3A_1187 = tpu.bitcast %get3A_1182 : vector<16xi32> -> vector<16xf32>
      %add3A_1188 = arith.addf %add3A_1162, %bitcast_convert_type3A_1186 : vector<16xf32>
      %add3A_1189 = arith.addf %add3A_1163, %bitcast_convert_type3A_1187 : vector<16xf32>
      %add3A_1190 = arith.constant 16 : i32
      %add3A_1191 = arith.addi %mul3A_1178, %add3A_1190 : i32
      %get3A_1192 = arith.index_cast %add3A_1191 : i32 to index
      %get3A_1193 = tpu.vector_load %arg5[%get3A_1192] {strides = array<i32>} : memref<32000xi32, #tpu.memory_space<vmem>>, vector<16xi32>,
      %shift_left3A_1194 = arith.constant 16 : i32
      %shift_left3A_1195 = vector.broadcast %shift_left3A_1194 : i32 to vector<16xi32>
      %shift_left3A_1196 = arith.shli %get3A_1193, %shift_left3A_1195 : vector<16xi32>
      %bitcast_convert_type3A_1197 = tpu.bitcast %shift_left3A_1196 : vector<16xi32> -> vector<16xf32>
      %bitcast_convert_type3A_1198 = tpu.bitcast %get3A_1193 : vector<16xi32> -> vector<16xf32>
      %add3A_1199 = arith.addf %add3A_1173, %bitcast_convert_type3A_1197 : vector<16xf32>
      %add3A_1200 = arith.addf %add3A_1174, %bitcast_convert_type3A_1198 : vector<16xf32>
      %slice3A_1201 = vector.extract_strided_slice %get3A_940 {offsets = [10], sizes = [1], strides = [1]} : vector<16xi32> to vector<1xi32>
      %squeeze3A_1202 = vector.extract %slice3A_1201[0] : i32 from vector<1xi32>
      %mul3A_1203 = arith.constant 32 : i32
      %mul3A_1204 = arith.muli %squeeze3A_1202, %mul3A_1203 : i32
      %add3A_1205 = arith.constant 0 : i32
      %add3A_1206 = arith.addi %mul3A_1204, %add3A_1205 : i32
      %get3A_1207 = arith.index_cast %add3A_1206 : i32 to index
      %get3A_1208 = tpu.vector_load %arg5[%get3A_1207] {strides = array<i32>} : memref<32000xi32, #tpu.memory_space<vmem>>, vector<16xi32>,
      %shift_left3A_1209 = arith.constant 16 : i32
      %shift_left3A_1210 = vector.broadcast %shift_left3A_1209 : i32 to vector<16xi32>
      %shift_left3A_1211 = arith.shli %get3A_1208, %shift_left3A_1210 : vector<16xi32>
      %bitcast_convert_type3A_1212 = tpu.bitcast %shift_left3A_1211 : vector<16xi32> -> vector<16xf32>
      %bitcast_convert_type3A_1213 = tpu.bitcast %get3A_1208 : vector<16xi32> -> vector<16xf32>
      %add3A_1214 = arith.addf %add3A_1188, %bitcast_convert_type3A_1212 : vector<16xf32>
      %add3A_1215 = arith.addf %add3A_1189, %bitcast_convert_type3A_1213 : vector<16xf32>
      %add3A_1216 = arith.constant 16 : i32
      %add3A_1217 = arith.addi %mul3A_1204, %add3A_1216 : i32
      %get3A_1218 = arith.index_cast %add3A_1217 : i32 to index
      %get3A_1219 = tpu.vector_load %arg5[%get3A_1218] {strides = array<i32>} : memref<32000xi32, #tpu.memory_space<vmem>>, vector<16xi32>,
      %shift_left3A_1220 = arith.constant 16 : i32
      %shift_left3A_1221 = vector.broadcast %shift_left3A_1220 : i32 to vector<16xi32>
      %shift_left3A_1222 = arith.shli %get3A_1219, %shift_left3A_1221 : vector<16xi32>
      %bitcast_convert_type3A_1223 = tpu.bitcast %shift_left3A_1222 : vector<16xi32> -> vector<16xf32>
      %bitcast_convert_type3A_1224 = tpu.bitcast %get3A_1219 : vector<16xi32> -> vector<16xf32>
      %add3A_1225 = arith.addf %add3A_1199, %bitcast_convert_type3A_1223 : vector<16xf32>
      %add3A_1226 = arith.addf %add3A_1200, %bitcast_convert_type3A_1224 : vector<16xf32>
      %slice3A_1227 = vector.extract_strided_slice %get3A_940 {offsets = [11], sizes = [1], strides = [1]} : vector<16xi32> to vector<1xi32>
      %squeeze3A_1228 = vector.extract %slice3A_1227[0] : i32 from vector<1xi32>
      %mul3A_1229 = arith.constant 32 : i32
      %mul3A_1230 = arith.muli %squeeze3A_1228, %mul3A_1229 : i32
      %add3A_1231 = arith.constant 0 : i32
      %add3A_1232 = arith.addi %mul3A_1230, %add3A_1231 : i32
      %get3A_1233 = arith.index_cast %add3A_1232 : i32 to index
      %get3A_1234 = tpu.vector_load %arg5[%get3A_1233] {strides = array<i32>} : memref<32000xi32, #tpu.memory_space<vmem>>, vector<16xi32>,
      %shift_left3A_1235 = arith.constant 16 : i32
      %shift_left3A_1236 = vector.broadcast %shift_left3A_1235 : i32 to vector<16xi32>
      %shift_left3A_1237 = arith.shli %get3A_1234, %shift_left3A_1236 : vector<16xi32>
      %bitcast_convert_type3A_1238 = tpu.bitcast %shift_left3A_1237 : vector<16xi32> -> vector<16xf32>
      %bitcast_convert_type3A_1239 = tpu.bitcast %get3A_1234 : vector<16xi32> -> vector<16xf32>
      %add3A_1240 = arith.addf %add3A_1214, %bitcast_convert_type3A_1238 : vector<16xf32>
      %add3A_1241 = arith.addf %add3A_1215, %bitcast_convert_type3A_1239 : vector<16xf32>
      %add3A_1242 = arith.constant 16 : i32
      %add3A_1243 = arith.addi %mul3A_1230, %add3A_1242 : i32
      %get3A_1244 = arith.index_cast %add3A_1243 : i32 to index
      %get3A_1245 = tpu.vector_load %arg5[%get3A_1244] {strides = array<i32>} : memref<32000xi32, #tpu.memory_space<vmem>>, vector<16xi32>,
      %shift_left3A_1246 = arith.constant 16 : i32
      %shift_left3A_1247 = vector.broadcast %shift_left3A_1246 : i32 to vector<16xi32>
      %shift_left3A_1248 = arith.shli %get3A_1245, %shift_left3A_1247 : vector<16xi32>
      %bitcast_convert_type3A_1249 = tpu.bitcast %shift_left3A_1248 : vector<16xi32> -> vector<16xf32>
      %bitcast_convert_type3A_1250 = tpu.bitcast %get3A_1245 : vector<16xi32> -> vector<16xf32>
      %add3A_1251 = arith.addf %add3A_1225, %bitcast_convert_type3A_1249 : vector<16xf32>
      %add3A_1252 = arith.addf %add3A_1226, %bitcast_convert_type3A_1250 : vector<16xf32>
      %slice3A_1253 = vector.extract_strided_slice %get3A_940 {offsets = [12], sizes = [1], strides = [1]} : vector<16xi32> to vector<1xi32>
      %squeeze3A_1254 = vector.extract %slice3A_1253[0] : i32 from vector<1xi32>
      %mul3A_1255 = arith.constant 32 : i32
      %mul3A_1256 = arith.muli %squeeze3A_1254, %mul3A_1255 : i32
      %add3A_1257 = arith.constant 0 : i32
      %add3A_1258 = arith.addi %mul3A_1256, %add3A_1257 : i32
      %get3A_1259 = arith.index_cast %add3A_1258 : i32 to index
      %get3A_1260 = tpu.vector_load %arg5[%get3A_1259] {strides = array<i32>} : memref<32000xi32, #tpu.memory_space<vmem>>, vector<16xi32>,
      %shift_left3A_1261 = arith.constant 16 : i32
      %shift_left3A_1262 = vector.broadcast %shift_left3A_1261 : i32 to vector<16xi32>
      %shift_left3A_1263 = arith.shli %get3A_1260, %shift_left3A_1262 : vector<16xi32>
      %bitcast_convert_type3A_1264 = tpu.bitcast %shift_left3A_1263 : vector<16xi32> -> vector<16xf32>
      %bitcast_convert_type3A_1265 = tpu.bitcast %get3A_1260 : vector<16xi32> -> vector<16xf32>
      %add3A_1266 = arith.addf %add3A_1240, %bitcast_convert_type3A_1264 : vector<16xf32>
      %add3A_1267 = arith.addf %add3A_1241, %bitcast_convert_type3A_1265 : vector<16xf32>
      %add3A_1268 = arith.constant 16 : i32
      %add3A_1269 = arith.addi %mul3A_1256, %add3A_1268 : i32
      %get3A_1270 = arith.index_cast %add3A_1269 : i32 to index
      %get3A_1271 = tpu.vector_load %arg5[%get3A_1270] {strides = array<i32>} : memref<32000xi32, #tpu.memory_space<vmem>>, vector<16xi32>,
      %shift_left3A_1272 = arith.constant 16 : i32
      %shift_left3A_1273 = vector.broadcast %shift_left3A_1272 : i32 to vector<16xi32>
      %shift_left3A_1274 = arith.shli %get3A_1271, %shift_left3A_1273 : vector<16xi32>
      %bitcast_convert_type3A_1275 = tpu.bitcast %shift_left3A_1274 : vector<16xi32> -> vector<16xf32>
      %bitcast_convert_type3A_1276 = tpu.bitcast %get3A_1271 : vector<16xi32> -> vector<16xf32>
      %add3A_1277 = arith.addf %add3A_1251, %bitcast_convert_type3A_1275 : vector<16xf32>
      %add3A_1278 = arith.addf %add3A_1252, %bitcast_convert_type3A_1276 : vector<16xf32>
      %slice3A_1279 = vector.extract_strided_slice %get3A_940 {offsets = [13], sizes = [1], strides = [1]} : vector<16xi32> to vector<1xi32>
      %squeeze3A_1280 = vector.extract %slice3A_1279[0] : i32 from vector<1xi32>
      %mul3A_1281 = arith.constant 32 : i32
      %mul3A_1282 = arith.muli %squeeze3A_1280, %mul3A_1281 : i32
      %add3A_1283 = arith.constant 0 : i32
      %add3A_1284 = arith.addi %mul3A_1282, %add3A_1283 : i32
      %get3A_1285 = arith.index_cast %add3A_1284 : i32 to index
      %get3A_1286 = tpu.vector_load %arg5[%get3A_1285] {strides = array<i32>} : memref<32000xi32, #tpu.memory_space<vmem>>, vector<16xi32>,
      %shift_left3A_1287 = arith.constant 16 : i32
      %shift_left3A_1288 = vector.broadcast %shift_left3A_1287 : i32 to vector<16xi32>
      %shift_left3A_1289 = arith.shli %get3A_1286, %shift_left3A_1288 : vector<16xi32>
      %bitcast_convert_type3A_1290 = tpu.bitcast %shift_left3A_1289 : vector<16xi32> -> vector<16xf32>
      %bitcast_convert_type3A_1291 = tpu.bitcast %get3A_1286 : vector<16xi32> -> vector<16xf32>
      %add3A_1292 = arith.addf %add3A_1266, %bitcast_convert_type3A_1290 : vector<16xf32>
      %add3A_1293 = arith.addf %add3A_1267, %bitcast_convert_type3A_1291 : vector<16xf32>
      %add3A_1294 = arith.constant 16 : i32
      %add3A_1295 = arith.addi %mul3A_1282, %add3A_1294 : i32
      %get3A_1296 = arith.index_cast %add3A_1295 : i32 to index
      %get3A_1297 = tpu.vector_load %arg5[%get3A_1296] {strides = array<i32>} : memref<32000xi32, #tpu.memory_space<vmem>>, vector<16xi32>,
      %shift_left3A_1298 = arith.constant 16 : i32
      %shift_left3A_1299 = vector.broadcast %shift_left3A_1298 : i32 to vector<16xi32>
      %shift_left3A_1300 = arith.shli %get3A_1297, %shift_left3A_1299 : vector<16xi32>
      %bitcast_convert_type3A_1301 = tpu.bitcast %shift_left3A_1300 : vector<16xi32> -> vector<16xf32>
      %bitcast_convert_type3A_1302 = tpu.bitcast %get3A_1297 : vector<16xi32> -> vector<16xf32>
      %add3A_1303 = arith.addf %add3A_1277, %bitcast_convert_type3A_1301 : vector<16xf32>
      %add3A_1304 = arith.addf %add3A_1278, %bitcast_convert_type3A_1302 : vector<16xf32>
      %slice3A_1305 = vector.extract_strided_slice %get3A_940 {offsets = [14], sizes = [1], strides = [1]} : vector<16xi32> to vector<1xi32>
      %squeeze3A_1306 = vector.extract %slice3A_1305[0] : i32 from vector<1xi32>
      %mul3A_1307 = arith.constant 32 : i32
      %mul3A_1308 = arith.muli %squeeze3A_1306, %mul3A_1307 : i32
      %add3A_1309 = arith.constant 0 : i32
      %add3A_1310 = arith.addi %mul3A_1308, %add3A_1309 : i32
      %get3A_1311 = arith.index_cast %add3A_1310 : i32 to index
      %get3A_1312 = tpu.vector_load %arg5[%get3A_1311] {strides = array<i32>} : memref<32000xi32, #tpu.memory_space<vmem>>, vector<16xi32>,
      %shift_left3A_1313 = arith.constant 16 : i32
      %shift_left3A_1314 = vector.broadcast %shift_left3A_1313 : i32 to vector<16xi32>
      %shift_left3A_1315 = arith.shli %get3A_1312, %shift_left3A_1314 : vector<16xi32>
      %bitcast_convert_type3A_1316 = tpu.bitcast %shift_left3A_1315 : vector<16xi32> -> vector<16xf32>
      %bitcast_convert_type3A_1317 = tpu.bitcast %get3A_1312 : vector<16xi32> -> vector<16xf32>
      %add3A_1318 = arith.addf %add3A_1292, %bitcast_convert_type3A_1316 : vector<16xf32>
      %add3A_1319 = arith.addf %add3A_1293, %bitcast_convert_type3A_1317 : vector<16xf32>
      %add3A_1320 = arith.constant 16 : i32
      %add3A_1321 = arith.addi %mul3A_1308, %add3A_1320 : i32
      %get3A_1322 = arith.index_cast %add3A_1321 : i32 to index
      %get3A_1323 = tpu.vector_load %arg5[%get3A_1322] {strides = array<i32>} : memref<32000xi32, #tpu.memory_space<vmem>>, vector<16xi32>,
      %shift_left3A_1324 = arith.constant 16 : i32
      %shift_left3A_1325 = vector.broadcast %shift_left3A_1324 : i32 to vector<16xi32>
      %shift_left3A_1326 = arith.shli %get3A_1323, %shift_left3A_1325 : vector<16xi32>
      %bitcast_convert_type3A_1327 = tpu.bitcast %shift_left3A_1326 : vector<16xi32> -> vector<16xf32>
      %bitcast_convert_type3A_1328 = tpu.bitcast %get3A_1323 : vector<16xi32> -> vector<16xf32>
      %add3A_1329 = arith.addf %add3A_1303, %bitcast_convert_type3A_1327 : vector<16xf32>
      %add3A_1330 = arith.addf %add3A_1304, %bitcast_convert_type3A_1328 : vector<16xf32>
      %slice3A_1331 = vector.extract_strided_slice %get3A_940 {offsets = [15], sizes = [1], strides = [1]} : vector<16xi32> to vector<1xi32>
      %squeeze3A_1332 = vector.extract %slice3A_1331[0] : i32 from vector<1xi32>
      %mul3A_1333 = arith.constant 32 : i32
      %mul3A_1334 = arith.muli %squeeze3A_1332, %mul3A_1333 : i32
      %add3A_1335 = arith.constant 0 : i32
      %add3A_1336 = arith.addi %mul3A_1334, %add3A_1335 : i32
      %get3A_1337 = arith.index_cast %add3A_1336 : i32 to index
      %get3A_1338 = tpu.vector_load %arg5[%get3A_1337] {strides = array<i32>} : memref<32000xi32, #tpu.memory_space<vmem>>, vector<16xi32>,
      %shift_left3A_1339 = arith.constant 16 : i32
      %shift_left3A_1340 = vector.broadcast %shift_left3A_1339 : i32 to vector<16xi32>
      %shift_left3A_1341 = arith.shli %get3A_1338, %shift_left3A_1340 : vector<16xi32>
      %bitcast_convert_type3A_1342 = tpu.bitcast %shift_left3A_1341 : vector<16xi32> -> vector<16xf32>
      %bitcast_convert_type3A_1343 = tpu.bitcast %get3A_1338 : vector<16xi32> -> vector<16xf32>
      %add3A_1344 = arith.addf %add3A_1318, %bitcast_convert_type3A_1342 : vector<16xf32>
      %add3A_1345 = arith.addf %add3A_1319, %bitcast_convert_type3A_1343 : vector<16xf32>
      %add3A_1346 = arith.constant 16 : i32
      %add3A_1347 = arith.addi %mul3A_1334, %add3A_1346 : i32
      %get3A_1348 = arith.index_cast %add3A_1347 : i32 to index
      %get3A_1349 = tpu.vector_load %arg5[%get3A_1348] {strides = array<i32>} : memref<32000xi32, #tpu.memory_space<vmem>>, vector<16xi32>,
      %shift_left3A_1350 = arith.constant 16 : i32
      %shift_left3A_1351 = vector.broadcast %shift_left3A_1350 : i32 to vector<16xi32>
      %shift_left3A_1352 = arith.shli %get3A_1349, %shift_left3A_1351 : vector<16xi32>
      %bitcast_convert_type3A_1353 = tpu.bitcast %shift_left3A_1352 : vector<16xi32> -> vector<16xf32>
      %bitcast_convert_type3A_1354 = tpu.bitcast %get3A_1349 : vector<16xi32> -> vector<16xf32>
      %add3A_1355 = arith.addf %add3A_1329, %bitcast_convert_type3A_1353 : vector<16xf32>
      %add3A_1356 = arith.addf %add3A_1330, %bitcast_convert_type3A_1354 : vector<16xf32>
      %mul3A_1357 = arith.constant 51 : i32
      %mul3A_1358 = arith.muli %scan3A_88, %mul3A_1357 : i32
      %add3A_1359 = arith.constant 48 : i32
      %add3A_1360 = arith.addi %mul3A_1358, %add3A_1359 : i32
      %get3A_1361 = arith.index_cast %add3A_1360 : i32 to index
      %get3A_1362 = tpu.vector_load %arg9[%get3A_1361] {strides = array<i32>} : memref<6544xi32, #tpu.memory_space<vmem>>, vector<16xi32>,
      %slice3A_1363 = vector.extract_strided_slice %get3A_1362 {offsets = [0], sizes = [1], strides = [1]} : vector<16xi32> to vector<1xi32>
      %squeeze3A_1364 = vector.extract %slice3A_1363[0] : i32 from vector<1xi32>
      %mul3A_1365 = arith.constant 32 : i32
      %mul3A_1366 = arith.muli %squeeze3A_1364, %mul3A_1365 : i32
      %add3A_1367 = arith.constant 0 : i32
      %add3A_1368 = arith.addi %mul3A_1366, %add3A_1367 : i32
      %get3A_1369 = arith.index_cast %add3A_1368 : i32 to index
      %get3A_1370 = tpu.vector_load %arg5[%get3A_1369] {strides = array<i32>} : memref<32000xi32, #tpu.memory_space<vmem>>, vector<16xi32>,
      %shift_left3A_1371 = arith.constant 16 : i32
      %shift_left3A_1372 = vector.broadcast %shift_left3A_1371 : i32 to vector<16xi32>
      %shift_left3A_1373 = arith.shli %get3A_1370, %shift_left3A_1372 : vector<16xi32>
      %bitcast_convert_type3A_1374 = tpu.bitcast %shift_left3A_1373 : vector<16xi32> -> vector<16xf32>
      %bitcast_convert_type3A_1375 = tpu.bitcast %get3A_1370 : vector<16xi32> -> vector<16xf32>
      %add3A_1376 = arith.addf %add3A_1344, %bitcast_convert_type3A_1374 : vector<16xf32>
      %add3A_1377 = arith.addf %add3A_1345, %bitcast_convert_type3A_1375 : vector<16xf32>
      %add3A_1378 = arith.constant 16 : i32
      %add3A_1379 = arith.addi %mul3A_1366, %add3A_1378 : i32
      %get3A_1380 = arith.index_cast %add3A_1379 : i32 to index
      %get3A_1381 = tpu.vector_load %arg5[%get3A_1380] {strides = array<i32>} : memref<32000xi32, #tpu.memory_space<vmem>>, vector<16xi32>,
      %shift_left3A_1382 = arith.constant 16 : i32
      %shift_left3A_1383 = vector.broadcast %shift_left3A_1382 : i32 to vector<16xi32>
      %shift_left3A_1384 = arith.shli %get3A_1381, %shift_left3A_1383 : vector<16xi32>
      %bitcast_convert_type3A_1385 = tpu.bitcast %shift_left3A_1384 : vector<16xi32> -> vector<16xf32>
      %bitcast_convert_type3A_1386 = tpu.bitcast %get3A_1381 : vector<16xi32> -> vector<16xf32>
      %add3A_1387 = arith.addf %add3A_1355, %bitcast_convert_type3A_1385 : vector<16xf32>
      %add3A_1388 = arith.addf %add3A_1356, %bitcast_convert_type3A_1386 : vector<16xf32>
      %slice3A_1389 = vector.extract_strided_slice %get3A_1362 {offsets = [1], sizes = [1], strides = [1]} : vector<16xi32> to vector<1xi32>
      %squeeze3A_1390 = vector.extract %slice3A_1389[0] : i32 from vector<1xi32>
      %mul3A_1391 = arith.constant 32 : i32
      %mul3A_1392 = arith.muli %squeeze3A_1390, %mul3A_1391 : i32
      %add3A_1393 = arith.constant 0 : i32
      %add3A_1394 = arith.addi %mul3A_1392, %add3A_1393 : i32
      %get3A_1395 = arith.index_cast %add3A_1394 : i32 to index
      %get3A_1396 = tpu.vector_load %arg5[%get3A_1395] {strides = array<i32>} : memref<32000xi32, #tpu.memory_space<vmem>>, vector<16xi32>,
      %shift_left3A_1397 = arith.constant 16 : i32
      %shift_left3A_1398 = vector.broadcast %shift_left3A_1397 : i32 to vector<16xi32>
      %shift_left3A_1399 = arith.shli %get3A_1396, %shift_left3A_1398 : vector<16xi32>
      %bitcast_convert_type3A_1400 = tpu.bitcast %shift_left3A_1399 : vector<16xi32> -> vector<16xf32>
      %bitcast_convert_type3A_1401 = tpu.bitcast %get3A_1396 : vector<16xi32> -> vector<16xf32>
      %add3A_1402 = arith.addf %add3A_1376, %bitcast_convert_type3A_1400 : vector<16xf32>
      %add3A_1403 = arith.addf %add3A_1377, %bitcast_convert_type3A_1401 : vector<16xf32>
      %add3A_1404 = arith.constant 16 : i32
      %add3A_1405 = arith.addi %mul3A_1392, %add3A_1404 : i32
      %get3A_1406 = arith.index_cast %add3A_1405 : i32 to index
      %get3A_1407 = tpu.vector_load %arg5[%get3A_1406] {strides = array<i32>} : memref<32000xi32, #tpu.memory_space<vmem>>, vector<16xi32>,
      %shift_left3A_1408 = arith.constant 16 : i32
      %shift_left3A_1409 = vector.broadcast %shift_left3A_1408 : i32 to vector<16xi32>
      %shift_left3A_1410 = arith.shli %get3A_1407, %shift_left3A_1409 : vector<16xi32>
      %bitcast_convert_type3A_1411 = tpu.bitcast %shift_left3A_1410 : vector<16xi32> -> vector<16xf32>
      %bitcast_convert_type3A_1412 = tpu.bitcast %get3A_1407 : vector<16xi32> -> vector<16xf32>
      %add3A_1413 = arith.addf %add3A_1387, %bitcast_convert_type3A_1411 : vector<16xf32>
      %add3A_1414 = arith.addf %add3A_1388, %bitcast_convert_type3A_1412 : vector<16xf32>
      %swap3A = arith.index_cast %scan3A_88 : i32 to index
      %swap3A_1415 = arith.constant 0 : index
      %swap3A_1416 = tpu.vector_load %arg10[%swap3A, %swap3A_1415] {strides = array<i32>} : memref<128x64xf32, #tpu.memory_space<vmem>>, vector<16xf32>,
      tpu.vector_store %arg10[%swap3A, %swap3A_1415], %add3A_1402 {strides = array<i32>} : memref<128x64xf32, #tpu.memory_space<vmem>>, vector<16xf32>,
      %swap3A_1417 = arith.index_cast %scan3A_88 : i32 to index
      %swap3A_1418 = arith.constant 16 : index
      %swap3A_1419 = tpu.vector_load %arg10[%swap3A_1417, %swap3A_1418] {strides = array<i32>} : memref<128x64xf32, #tpu.memory_space<vmem>>, vector<16xf32>,
      tpu.vector_store %arg10[%swap3A_1417, %swap3A_1418], %add3A_1403 {strides = array<i32>} : memref<128x64xf32, #tpu.memory_space<vmem>>, vector<16xf32>,
      %swap3A_1420 = arith.index_cast %scan3A_88 : i32 to index
      %swap3A_1421 = arith.constant 32 : index
      %swap3A_1422 = tpu.vector_load %arg10[%swap3A_1420, %swap3A_1421] {strides = array<i32>} : memref<128x64xf32, #tpu.memory_space<vmem>>, vector<16xf32>,
      tpu.vector_store %arg10[%swap3A_1420, %swap3A_1421], %add3A_1413 {strides = array<i32>} : memref<128x64xf32, #tpu.memory_space<vmem>>, vector<16xf32>,
      %swap3A_1423 = arith.index_cast %scan3A_88 : i32 to index
      %swap3A_1424 = arith.constant 48 : index
      %swap3A_1425 = tpu.vector_load %arg10[%swap3A_1423, %swap3A_1424] {strides = array<i32>} : memref<128x64xf32, #tpu.memory_space<vmem>>, vector<16xf32>,
      tpu.vector_store %arg10[%swap3A_1423, %swap3A_1424], %add3A_1414 {strides = array<i32>} : memref<128x64xf32, #tpu.memory_space<vmem>>, vector<16xf32>,
    }
    %scan3A_85 = arith.constant 128 : i32
    %mul3A_86 = arith.constant 128 : i32
    %mul3A_87 = arith.muli %add3A, %mul3A_86 : i32
    "tpu.region"() ({
      %run_scoped3A = tpu.sem_alloc : memref<!tpu.dma_semaphore, #tpu.memory_space<semaphore_mem>>
      %dma_start3A_88 = arith.constant 0 : i32
      %dma_start3A_89 = tpu.memref_slice %arg4[%mul3A_87, %dma_start3A_88] : memref<4096x64xf32, #tpu.memory_space<hbm>> -> memref<128x64xf32, #tpu.memory_space<hbm>>
      %dma_start3A_90 = arith.constant 0 : i32
      %dma_start3A_91 = tpu.memref_slice %arg4[%mul3A_87, %dma_start3A_90] : memref<4096x64xf32, #tpu.memory_space<hbm>> -> memref<128x64xf32, #tpu.memory_space<hbm>>
      tpu.enqueue_dma source(%arg10 : memref<128x64xf32, #tpu.memory_space<vmem>>) target(%dma_start3A_91 : memref<128x64xf32, #tpu.memory_space<hbm>>) target_semaphore(%run_scoped3A : memref<!tpu.dma_semaphore, #tpu.memory_space<semaphore_mem>>)
      %dma_wait3A_92 = arith.constant 0 : i32
      %dma_wait3A_93 = tpu.memref_slice %arg4[%mul3A_87, %dma_wait3A_92] : memref<4096x64xf32, #tpu.memory_space<hbm>> -> memref<128x64xf32, #tpu.memory_space<hbm>>
      %dma_wait3A_94 = arith.constant 0 : i32
      %dma_wait3A_95 = tpu.memref_slice %arg4[%mul3A_87, %dma_wait3A_94] : memref<4096x64xf32, #tpu.memory_space<hbm>> -> memref<128x64xf32, #tpu.memory_space<hbm>>
      tpu.wait_dma2 semaphore(%run_scoped3A : memref<!tpu.dma_semaphore, #tpu.memory_space<semaphore_mem>>) src(%arg10 : memref<128x64xf32, #tpu.memory_space<vmem>>) dst(%dma_wait3A_95 : memref<128x64xf32, #tpu.memory_space<hbm>>)
      tpu.yield
    }) : () -> ()
    return
  }
}

module attributes {stable_mosaic.version = 14 : i64} {
  func.func @_head_body(%arg0: i32, %arg1: memref<2048x64xf32, #tpu.memory_space<vmem>>, %arg2: memref<51x64xf32, #tpu.memory_space<vmem>>, %arg3: memref<51x1xf32, #tpu.memory_space<vmem>>, %arg4: memref<51x2048xf32, #tpu.memory_space<vmem>>) attributes {dimension_semantics = [#tpu.dimension_semantics<arbitrary>], iteration_bounds = array<i64: 2>, scalar_prefetch = 0 : i64, scratch_operands = 0 : i64, tpu.core_type = #tpu.core_type<tc>, window_params = [{transform_indices = @transform_0, window_bounds = array<i64: 2048, 64>}, {pipeline_mode = #tpu.pipeline_mode<synchronous>, transform_indices = @transform_1, window_bounds = array<i64: 51, 64>}, {pipeline_mode = #tpu.pipeline_mode<synchronous>, transform_indices = @transform_2, window_bounds = array<i64: 51, 1>}, {transform_indices = @transform_3, window_bounds = array<i64: 51, 2048>}]} {
    %get3A = arith.constant 0 : index
    %get3A_0 = arith.constant 0 : index
    %get3A_1 = vector.load %arg2[%get3A, %get3A_0] : memref<51x64xf32, #tpu.memory_space<vmem>>, vector<51x64xf32>
    %get3A_2 = arith.constant 0 : index
    %get3A_3 = arith.constant 0 : index
    %get3A_4 = vector.load %arg1[%get3A_2, %get3A_3] : memref<2048x64xf32, #tpu.memory_space<vmem>>, vector<2048x64xf32>
    %dot_general3A = arith.constant dense<0.000000e+00> : vector<51x2048xf32>
    %dot_general3A_5 = tpu.matmul %get3A_1, %get3A_4, %dot_general3A {dimension_numbers = #tpu.dot_dimension_numbers<[1], [1], [0], [0], [0, 0, 1, 0], [], []>, transpose_lhs_hint = false} : vector<51x64xf32>, vector<2048x64xf32>, vector<51x2048xf32> -> vector<51x2048xf32>
    %mul3A = arith.constant 2.000000e-02 : f32
    %mul3A_6 = vector.broadcast %mul3A : f32 to vector<51x2048xf32>
    %mul3A_7 = arith.mulf %dot_general3A_5, %mul3A_6 : vector<51x2048xf32>
    %get3A_8 = arith.constant 0 : index
    %get3A_9 = arith.constant 0 : index
    %get3A_10 = vector.load %arg3[%get3A_8, %get3A_9] : memref<51x1xf32, #tpu.memory_space<vmem>>, vector<51x1xf32>
    %add3A = vector.broadcast %get3A_10 : vector<51x1xf32> to vector<51x2048xf32>
    %add3A_11 = arith.addf %mul3A_7, %add3A : vector<51x2048xf32>
    %reduce_max3A = arith.constant dense<0xFF800000> : vector<2048xf32>
    %reduce_max3A_12 = vector.multi_reduction <maximumf>, %add3A_11, %reduce_max3A [0] : vector<51x2048xf32> to vector<2048xf32>
    %broadcast_in_dim3A = vector.shape_cast %reduce_max3A_12 : vector<2048xf32> to vector<1x2048xf32>
    %sub3A = vector.broadcast %broadcast_in_dim3A : vector<1x2048xf32> to vector<51x2048xf32>
    %sub3A_13 = arith.subf %add3A_11, %sub3A : vector<51x2048xf32>
    %exp3A = math.exp %sub3A_13 : vector<51x2048xf32>
    %reduce_sum3A = arith.constant dense<0.000000e+00> : vector<2048xf32>
    %reduce_sum3A_14 = vector.multi_reduction <add>, %exp3A, %reduce_sum3A [0] : vector<51x2048xf32> to vector<2048xf32>
    %broadcast_in_dim3A_15 = vector.shape_cast %reduce_sum3A_14 : vector<2048xf32> to vector<1x2048xf32>
    %div3A = arith.constant 1.000000e+00 : f32
    %div3A_16 = vector.broadcast %div3A : f32 to vector<1x2048xf32>
    %div3A_17 = arith.divf %div3A_16, %broadcast_in_dim3A_15 : vector<1x2048xf32>
    %mul3A_18 = vector.broadcast %div3A_17 : vector<1x2048xf32> to vector<51x2048xf32>
    %mul3A_19 = arith.mulf %exp3A, %mul3A_18 : vector<51x2048xf32>
    %swap3A = arith.constant 0 : index
    %swap3A_20 = arith.constant 0 : index
    %swap3A_21 = vector.load %arg4[%swap3A, %swap3A_20] : memref<51x2048xf32, #tpu.memory_space<vmem>>, vector<51x2048xf32>
    tpu.vector_store %arg4[%swap3A, %swap3A_20], %mul3A_19 {strides = array<i32>} : memref<51x2048xf32, #tpu.memory_space<vmem>>, vector<51x2048xf32>,
    return
  }
  func.func @transform_0(%arg0: i32) -> (i32, i32) {
    %c0_i32 = arith.constant 0 : i32
    %c0_i32_0 = arith.constant 0 : i32
    return %arg0, %c0_i32 : i32, i32
  }
  func.func @transform_1(%arg0: i32) -> (i32, i32) {
    %c0_i32 = arith.constant 0 : i32
    %c0_i32_0 = arith.constant 0 : i32
    %c0_i32_1 = arith.constant 0 : i32
    return %c0_i32, %c0_i32_0 : i32, i32
  }
  func.func @transform_2(%arg0: i32) -> (i32, i32) {
    %c0_i32 = arith.constant 0 : i32
    %c0_i32_0 = arith.constant 0 : i32
    %c0_i32_1 = arith.constant 0 : i32
    return %c0_i32, %c0_i32_0 : i32, i32
  }
  func.func @transform_3(%arg0: i32) -> (i32, i32) {
    %c0_i32 = arith.constant 0 : i32
    %c0_i32_0 = arith.constant 0 : i32
    return %c0_i32, %arg0 : i32, i32
  }
}

</mosaic_0001>

<sc_bundles>
// kernel: kernel.4.cloned.1.call-start
scs
__scs_entry_jumppad:
0x0: {  	(pc) =	sbr.rel $0x88, $3  }
0x1: {  	(tag) =	ssettag $0x0;
	lr =	simm.s32 $0x1  }
0x2: {  	[smem:$0x3F9D] =	sst lr;
	_ =	strace $0xD0000000  }
0x3: {  	_ = 	snop  }
0x4: {  	_ = 	snop  }
0x5: {  	_ = 	snop  }
0x6: {  	_ = 	snop  }
0x7: {  	_ = 	snop  }
__scs_overlays_trampoline_lowered:
0x8: {  	[smem:$0x3FAC] =	sst s0  }
0x9: {  	[smem:$0x3FAD] =	sst s1  }
0xa: {  	[smem:$0x3FAE] =	sst s2  }
0xb: {  	[smem:$0x3FAF] =	sst s3  }
0xc: {  	[smem:$0x3FB0] =	sst s4  }
0xd: {  	[smem:$0x3FB1] =	sst s5  }
0xe: {  	[smem:$0x3FB2] =	sst s6  }
0xf: {  	[smem:$0x3FB3] =	sst s7  }
0x10: {  	[smem:$0x3FB4] =	sst s8  }
0x11: {  	[smem:$0x3FB5] =	sst s9;
	s0 =	simm.s32 @!p0 $0x0  }
0x12: {  	s1 =	sld [smem:$0x3F9B];
	s0 =	simm.s32 @p0 $0x1  }
0x13: {  	[smem:$0x3FB6] =	sst s0;
	s0 =	simm.s32 @!p1 $0x0  }
0x14: {  	s2 =	sld [smem:$0x3F9A];
	s0 =	simm.s32 @p1 $0x1  }
0x15: {  	[smem:$0x3FB7] =	sst s0;
	s0 =	simm.s32 @!p2 $0x0  }
0x16: {  	s3 =	sld [smem:$0x3FDB];
	s0 =	simm.s32 @p2 $0x1  }
0x17: {  	s4 =	simm.s32 $0x1BF5;
	[smem:$0x3FB9] =	sst s0  }
0x18: {  	s0 =	sld [smem:$0x3F9C];
	_ =	swait.ge [sflag:s4], $0x0  }
0x19: {  	s7 =	sld [smem:$0x3F9D]  }
0x1a: {  	s8 =	sadd.s32 $0xFFFFE003, lr  }
0x1b: {  	s9 =	sadd.s32 $0xFFFFFEF7, lr;
	s5 =	simm.s32 $0xFFFFFFFF;
	p2 =	slt.u32 s8, $0xFFFFF086  }
0x1c: {  	p1 =	slt.u32 s9, $0xF7A;
	s5 =	simm.s32 @!p2 $0x0  }
0x1d: {  	s5 =	simm.s32 @p1 $0x1;
	p0 =	seq.s32 s7, s2  }
0x1e: {  	s7 =	smul.u32 @!p0 $0xF7A, s2;
	p2 =	seq.s32 @!p0 s5, $0x0  }
0x1f: {  	s9 =	smul.u32 $0xF7A, s1;
	s8 =	simm.s32 @!p0 $0x1BF5;
	p2 =	por !p2, p0  }
0x20: {  	[sflag:s8] =	ssyncset.s32 @!p0 $0xFFFFF086;
	s6 =	sadd.s32 @!p0 s3, s7;
	s7 =	simm.s32 @!p0 $0x108  }
0x21: {  	s3 =	sadd.s32 s3, s9;
	s6 =	sadd.s32 @!p0 $0x88, s6;
	s7 =	simm.s32 @p2 $0x1082  }
0x22: {  	[simem:s7], [sflag:s8] =	dma.local @!p0 [hbm:s6], $0xF7A  }
0x23: {  	s9 =	sor.u32 $0xD0000000, s2;
	s6 =	simm.s32 $0x108;
	_ =	swait.ge @!p0 [sflag:s8], $0x0  }
0x24: {  	s3 =	sadd.s32 $0x88, s3;
	s6 =	simm.s32 @!p1 $0x1082;
	[sflag:s4] =	ssyncset.s32 $0xFFFFF086  }
0x25: {  	[simem:s6], [sflag:s4] =	dma.local [hbm:s3], $0xF7A  }
0x26: {  	[smem:$0x3F9D] =	sst s1;
	(tag) =	ssettag s2;
	_ =	strace s9  }
0x27: {  	s1 =	sld [smem:$0x3FAD]  }
0x28: {  	s2 =	sld [smem:$0x3FAE]  }
0x29: {  	s4 =	sld [smem:$0x3FB0]  }
0x2a: {  	p0 =	seq.s32 s5, $0x0;
	s5 =	sld [smem:$0x3FB1]  }
0x2b: {  	s6 =	sld [smem:$0x3FB2]  }
0x2c: {  	s7 =	sld [smem:$0x3FB3]  }
0x2d: {  	s3 =	simm.s32 $0x108;
	s8 =	sld [smem:$0x3FB4]  }
0x2e: {  	s3 =	simm.s32 @!p0 $0x1082;
	s9 =	sld [smem:$0x3FB5]  }
0x2f: {  	lr =	sadd.s32 s0, s3;
	s0 =	sld [smem:$0x3FAC]  }
0x30: {  	s3 =	sld [smem:$0x3FAF]  }
0x31: {  	[smem:$0x3FB8] =	sst s10  }
0x32: {  	s10 =	sld [smem:$0x3FB6];
	_ =	sdelay $0x3  }
0x33: {  	p0 =	seq.s32 s10, $0x1;
	s10 =	sld [smem:$0x3FB8];
	_ =	sdelay $0x3  }
0x34: {  	[smem:$0x3FB8] =	sst s10  }
0x35: {  	s10 =	sld [smem:$0x3FB7];
	_ =	sdelay $0x3  }
0x36: {  	p1 =	seq.s32 s10, $0x1;
	s10 =	sld [smem:$0x3FB8];
	_ =	sdelay $0x3  }
0x37: {  	[smem:$0x3FB8] =	sst s10  }
0x38: {  	s10 =	sld [smem:$0x3FB9]  }
0x39: {  	_ = 	snop;
	(pc) =	sbr.ind lr, $3  }
0x3a: {  	_ = 	snop  }
0x3b: {  	_ = 	snop  }
0x3c: {  	p2 =	seq.s32 s10, $0x1;
	s10 =	sld [smem:$0x3FB8]  }
0x3d: {  	_ =	shalt  }
0x3e: {  	_ =	shalt  }
0x3f: {  	_ =	shalt  }
0x40: {  	_ =	shalt  }
0x41: {  	_ =	shalt  }
0x42: {  	_ =	shalt  }
0x43: {  	_ =	shalt  }
0x44: {  	_ =	shalt  }
0x45: {  	_ =	shalt  }
0x46: {  	_ =	shalt  }
0x47: {  	_ =	shalt  }
0x48: {  	_ =	shalt  }
0x49: {  	_ =	shalt  }
0x4a: {  	_ =	shalt  }
0x4b: {  	_ =	shalt  }
0x4c: {  	_ =	shalt  }
0x4d: {  	_ =	shalt  }
0x4e: {  	_ =	shalt  }
0x4f: {  	_ =	shalt  }
0x50: {  	_ =	shalt  }
0x51: {  	_ =	shalt  }
0x52: {  	_ =	shalt  }
0x53: {  	_ =	shalt  }
0x54: {  	_ =	shalt  }
0x55: {  	_ =	shalt  }
0x56: {  	_ =	shalt  }
0x57: {  	_ =	shalt  }
0x58: {  	_ =	shalt  }
0x59: {  	_ =	shalt  }
0x5a: {  	_ =	shalt  }
0x5b: {  	_ =	shalt  }
0x5c: {  	_ =	shalt  }
0x5d: {  	_ =	shalt  }
0x5e: {  	_ =	shalt  }
0x5f: {  	_ =	shalt  }
0x60: {  	_ =	shalt  }
0x61: {  	_ =	shalt  }
0x62: {  	_ =	shalt  }
0x63: {  	_ =	shalt  }
0x64: {  	_ =	shalt  }
0x65: {  	_ =	shalt  }
0x66: {  	_ =	shalt  }
0x67: {  	_ =	shalt  }
0x68: {  	_ =	shalt  }
0x69: {  	_ =	shalt  }
0x6a: {  	_ =	shalt  }
0x6b: {  	_ =	shalt  }
0x6c: {  	_ =	shalt  }
0x6d: {  	_ =	shalt  }
0x6e: {  	_ =	shalt  }
0x6f: {  	_ =	shalt  }
0x70: {  	_ =	shalt  }
0x71: {  	_ =	shalt  }
0x72: {  	_ =	shalt  }
0x73: {  	_ =	shalt  }
0x74: {  	_ =	shalt  }
0x75: {  	_ =	shalt  }
0x76: {  	_ =	shalt  }
0x77: {  	_ =	shalt  }
0x78: {  	_ =	shalt  }
0x79: {  	_ =	shalt  }
0x7a: {  	_ =	shalt  }
0x7b: {  	_ =	shalt  }
0x7c: {  	_ =	shalt  }
0x7d: {  	_ =	shalt  }
0x7e: {  	_ =	shalt  }
0x7f: {  	_ =	shalt  }
0x80: {  	_ =	shalt  }
0x81: {  	_ =	shalt  }
0x82: {  	_ =	shalt  }
0x83: {  	_ =	shalt  }
0x84: {  	_ =	shalt  }
0x85: {  	_ =	shalt  }
0x86: {  	_ =	shalt  }
0x87: {  	_ =	shalt  }
.Lfunc_end0:
.L_simem_size_0:
called_computation_lowered:
.L_overlay_start_0:
0x88: {  	s2 =	sld [smem:$0x3FD9]  }
0x89: {  	s3 =	sld [smem:$0x3FFE];
	_ =	sdelay $0x1  }
0x8a: {  	s1 =	srdreg.scid  }
0x8b: {  	s0 =	sand.u32 $0x1, s1  }
0x8c: {  	s17 =	sshll.u32 s0, $0xA;
	s2 =	sadd.s32 s3, s2  }
0x8d: {  	s2 =	sadd.s32 s2, s17  }
0x8e: {  	[smem:$0x3FC4] =	sst s2  }
0x8f: {  	_ = 	snop  }
0x90: {  	s2 =	sld [smem:$0x3FC9]  }
0x91: {  	s18 =	sld [smem:$0x3FD0];
	(tm) =	ssettm $0x1  }
0x92: {  	s4 =	sld [smem:$0x3FFB];
	_ =	sdelay $0x3  }
0x93: {  	_ =	strace s4  }
0x94: {  	s4 =	sld [smem:$0x3FFC];
	_ =	sdelay $0x3  }
0x95: {  	_ =	strace s4  }
0x96: {  	s4 =	sld [smem:$0x3FFD];
	_ =	sdelay $0x3  }
0x97: {  	_ =	strace s4  }
0x98: {  	_ =	strace $0x8FFFFFFF  }
0x99: {  	s19 =	sld [smem:$0x3FDB];
	_ =	sdelay $0x1  }
0x9a: {  	s5 =	simm.s32 $_scs_section_size  }
0x9b: {  	s6 =	simm.s32 $_size__tile_overlayer_lowered;
	s7 =	simm.s32 $_tile_overlayer_lowered  }
0x9c: {  	s22 =	simm.s32 $0x1BFF;
	s21 =	sshll.u32 s7, $0x1;
	s4 =	sadd.s32 s5, s19  }
0x9d: {  	s8 =	simm.s32 $0x0;
	s20 =	sshll.u32 s6, $0x1;
	s6 =	sadd.s32 s21, s4  }
0x9e: {  	[timem:s8], [sflag:s22] =	dma.local [hbm:s6], s20  }
0x9f: {  	_ =	swait.ge [sflag:s22], s20  }
0xa0: {  	s5 =	ssub.s32 $0x0, s20;
	[sflag:s22] =	ssyncset.done $0x0  }
0xa1: {  	[sflag:s22] =	ssyncadd.s32 s5;
	_ =	sdelay $0x1  }
0xa2: {  	s23 =	simm.s32 $0x1B8B  }
0xa3: {  	_ =	swait.ge [sflag:s23], $0x1  }
0xa4: {  	[sflag:s23] =	ssyncset.done $0x0  }
0xa5: {  	s25 =	simm.s32 $0x1B8E;
	s24 =	sld [smem:$0x3FFE];
	[sflag:s23] =	ssyncadd.s32 $0xFFFFFFFF  }
0xa6: {  	s26 =	simm.s32 $execute0_lowered;
	[smem:$0x3FD2] =	sst s25  }
0xa7: {  	s6 =	sshll.u32 s26, $0x1;
	_ =	strace $0x80000046;
	[dreg:$0x1] =	wrdreg $0xFFFFFFFF  }
0xa8: {  	s28 =	simm.s32 $_size_execute0_lowered;
	s4 =	sadd.s32 s4, s6;
	[dreg:$0x0] =	wrdreg $0x0  }
0xa9: {  	s6 =	sshll.u32 s28, $0x1;
	[dreg:$0x2] =	wrdreg s4  }
0xaa: {  	[dreg:$0x3] =	wrdreg s6  }
0xab: {  	[dreg:$0x4] =	wrdreg $0xC0  }
0xac: {  	_ =	task [dreg:s8], $0x5FFFF  }
0xad: {  	[dreg:$0x1] =	wrdreg $0xFFFFFFFF  }
0xae: {  	[dreg:$0x0] =	wrdreg $0x60  }
0xaf: {  	[dreg:$0x2] =	wrdreg s18  }
0xb0: {  	[dreg:$0x3] =	wrdreg s2  }
0xb1: {  	[dreg:$0x4] =	wrdreg s24  }
0xb2: {  	[dreg:$0x5] =	wrdreg $0x11B000  }
0xb3: {  	[dreg:$0x6] =	wrdreg $0x9  }
0xb4: {  	_ =	task.clear_ibuf [dreg:s8], $0x7FFFF;
	_ =	strace $0x90000046  }
0xb5: {  	s29 =	simm.s32 $0x9;
	_ =	strace $0x80000048  }
0xb6: {  	_ =	swait.ge [sflag:s29], $0x1  }
0xb7: {  	[sflag:s29] =	ssyncadd.s32 $0xFFFFFFFF  }
0xb8: {  	_ =	strace $0x90000048  }
0xb9: {  	_ =	sfence  }
0xba: {  	s30 =	sld [smem:$0x0];
	_ =	sdelay $0x2  }
0xbb: {  	s31 =	sshll.u32 s1, $0xD;
	s1 =	sshrl.u32 s1, $0x2  }
0xbc: {  	s3 =	sand.u32 $0x4000, s31;
	s1 =	sadd.s32 s1, s30  }
0xbd: {  	s0 =	sor.u32 s3, s0;
	s1 =	sshll.u32 s1, $0x11  }
0xbe: {  	s0 =	sor.u32 s1, s0  }
0xbf: {  	s0 =	sadd.s32 $0x8F2B, s0  }
0xc0: {  	[sflag:s0] =	ssyncadd.remote.s32 $0x1  }
0xc1: {  	_ =	sfence.sel $0xFFFF  }
0xc2: {  	[dreg:$0x0] =	wrdreg $0xFFFFFFFF;
	(pc) =	sbr.abs _section_cstart, $3  }
0xc3: {  	[dreg:$0x1] =	wrdreg $0xFFFFFFFF  }
0xc4: {  	_ =	task.clear_ibuf [dreg:s8], $0x2FFFF;
	_ =	strace $0x9FFFFFFF  }
0xc5: {  	(tm) =	ssettm $0x7FFFFFFF  }
tec
execute0_lowered:
.L_overlay_start_1:
0x0: {  	(tag) =	ssettag $0x1  }
0x1: {  	s6 =	rddreg [dreg:$0x0]  }
0x2: {  	s4 =	rddreg [dreg:$0x1]  }
0x3: {  	s5 =	rddreg [dreg:$0x2]  }
0x4: {  	s2 =	rddreg [dreg:$0x3];
	s3 =	srdreg.scid  }
0x5: {  	s0 =	rddreg [dreg:$0x4];
	s1 =	stileid.u32  }
0x6: {  	s12 =	simm.s32 $0xA500;
	s13 =	simm.s32 $0xBD00;
	s14 =	simm.s32 $0x7D00  }
0x7: {  	s15 =	simm.s32 $0x2;
	s16 =	simm.s32 $0x9D00;
	s17 =	simm.s32 $0x1  }
0x8: {  	s18 =	simm.s32 $0xC100;
	s19 =	simm.s32 $0xDB00;
	s20 =	simm.s32 $0x0  }
0x9: {  	s7 =	sand.u32 $0x1, s3;
	s3 =	simm.s32 $0x0;
	s8 =	sshll.u32 s1, $0x8  }
0xa: {  	s10 =	sshll.u32 s1, $0x6;
	s9 =	sshll.u32 s7, $0x7;
	[smem:$0x7FF] =	sst s3  }
0xb: {  	v0 =	vlaneseq.u32;
	s7 =	ssub.s32 $0x2, s7;
	s30 =	smin.u32 s10, $0x3A8;
	s10 =	simm.s32 $0x400  }
0xc: {  	v0 =	vmul.u32 $0x33, v0;
	s8 =	sor.u32 s9, s8;
	_ =	strace $0x80000047;
	s29 =	sshrl.u32 s7, $0x1  }
0xd: {  	s31 =	sshll.u32 s30, $0x4;
	s9 =	sshll.u32 s8, $0x4;
	s11 =	ssub.s32 s7, s29  }
0xe: {  	v1 =	vadd.s32 $0x330, v0;
	s4 =	sadd.s32 s4, s8;
	s7 =	sshll.u32 s30, $0x5;
	s6 =	sadd.s32 s6, s31  }
0xf: {  	v2 =	vadd.s32 $0x660, v0;
	v3 =	vadd.s32 $0x990, v0;
	v4 =	vadd.s32 $0xCC0, v0;
	s9 =	sadd.s32 s9, s5;
	s5 =	sadd.s32 $0x6000, s4;
	s7 =	sadd.s32 s7, s2  }
0x10: {  	v5 =	vadd.s32 $0xFF0, v0;
	v6 =	vadd.s32 $0x1320, v0;
	v7 =	vadd.s32 $0x1650, v0;
	s8 =	sadd.s32 $0xA00, s9;
	s9 =	smax.u32 s11, $0x1;
	s11 =	simm.s32 $0x8000  }
.LBB2_1:
0x11: {  	[tilespmem:s12], [sflag:$0x1] =	stream.strided.gather [hbm4b:s4+s10], $0x1800, s11, s10, $0x38;
	[tilespmem:$0x122D0] =	vst v63  }
0x12: {  	_ = 	snop  }
0x13: {  	[tilespmem:s13], [sflag:$0x1] =	stream.linear.gather [hbm4b:s5+s3], $0x100, $0x38;
	[tilespmem:$0x122D0] =	vst v63  }
0x14: {  	_ = 	snop  }
0x15: {  	[tilespmem:s14], [sflag:$0x2] =	stream.linear.gather [hbm4b:s6+s3], $0x2000, $0x38;
	[tilespmem:$0x122D0] =	vst v63  }
0x16: {  	_ =	swait.ge [sflag:s15], $0x2000  }
0x17: {  	[sflag:s15] =	ssyncset.done $0x0  }
0x18: {  	s21 =	simm.s32 $0x7D20;
	[sflag:s15] =	ssyncadd.s32 $0xFFFFE000  }
0x19: {  	v8 =	vld [tilespmem:s21+$0x0]  }
0x1a: {  	v9 =	vld [tilespmem:s21+$0xFFFFFFE0]  }
0x1b: {  	v10 =	vld [tilespmem:s21+$0x10]  }
0x1c: {  	v11 =	vld [tilespmem:s21+$0xFFFFFFF0];
	_ =	sdelay $0x3  }
0x1d: {  	s23 =	simm.s32 $0x0;
	v10 =	vpack.i.f32.bf16 v10, v8  }
0x1e: {  	s22 =	simm.s32 $0x80;
	v8 =	vpack.i.f32.bf16 v11, v9;
	[tilespmem:s23+$0x9D10] =	vst v10  }
.LBB2_2:
0x1f: {  	p0 =	sne.s32 s22, $0x1F80  }
0x20: {  	[tilespmem:s23+$0x9D00] =	vst v8;
	s21 =	sadd.s32 $0x80, s21;
	s23 =	smov.u32 s22;
	s22 =	sadd.s32 $0x80, s22  }
0x21: {  	v8 =	vld [tilespmem:s21+$0x0]  }
0x22: {  	v9 =	vld [tilespmem:s21+$0xFFFFFFE0]  }
0x23: {  	v10 =	vld [tilespmem:s21+$0x10]  }
0x24: {  	v11 =	vld [tilespmem:s21+$0xFFFFFFF0]  }
.Ltmp0:
0x25: {  	(pc) =	sbr.rel @p0 .LBB2_2-.Ltmp0, $3  }
0x26: {  	_ =	sdelay $0x1  }
0x27: {  	s23 =	sshra.s32 s23, $0x2;
	v10 =	vpack.i.f32.bf16 v10, v8  }
0x28: {  	v8 =	vpack.i.f32.bf16 v11, v9;
	[tilespmem:s23+$0x9D10] =	vst v10  }
0x29: {  	[tilespmem:s23+$0x9D00] =	vst v8  }
0x2a: {  	[spmem:s7] =	stream.linear.scatter [tilespmem:s16], [sflag:$0x2], $0x800, $0x38;
	[tilespmem:$0x122D0] =	vst v63  }
0x2b: {  	_ =	swait.ge [sflag:s15], $0x800  }
0x2c: {  	[sflag:s15] =	ssyncset.done $0x0  }
0x2d: {  	[sflag:s15] =	ssyncadd.s32 $0xFFFFF800  }
0x2e: {  	s21 =	simm.s32 $0x0;
	[bflag:$0x0] =	sbarrier.arrive $0xFFFF  }
0x2f: {  	[tilespmem:s21], [sflag:$0x1] =	stream.linear.gather [spmem:s2], $0x7D00, $0x38;
	[tilespmem:$0x122D0] =	vst v63  }
0x30: {  	_ =	swait.ge [sflag:s17], $0x1900  }
0x31: {  	[sflag:s17] =	ssyncset.done $0x0  }
0x32: {  	s22 =	simm.s32 $0xA540;
	[sflag:s17] =	ssyncadd.s32 $0xFFFFE700  }
0x33: {  	s23 =	simm.s32 $0x1;
	v9 =	vadd.s32 s21, v0;
	v8 =	vld [tilespmem:s22+$0xFFFFFFC0]  }
.LBB2_4:
0x34: {  	p0 =	sne.s32 s23, $0x31;
	_ =	sdelay $0x3  }
0x35: {  	[tilespmem:v9+s18+$0x0] =	vst.idx.msk $0xffff, v8  }
0x36: {  	v9 =	vadd.s32 s21, v1;
	v8 =	vld [tilespmem:s22+$0xFFFFFFD0];
	_ =	sdelay $0x4  }
0x37: {  	[tilespmem:v9+s18+$0x0] =	vst.idx.msk $0xffff, v8  }
0x38: {  	v9 =	vadd.s32 s21, v2;
	v8 =	vld [tilespmem:s22+$0xFFFFFFE0];
	_ =	sdelay $0x4  }
0x39: {  	[tilespmem:v9+s18+$0x0] =	vst.idx.msk $0xffff, v8  }
0x3a: {  	v9 =	vadd.s32 s21, v3;
	v8 =	vld [tilespmem:s22+$0xFFFFFFF0];
	_ =	sdelay $0x4  }
0x3b: {  	[tilespmem:v9+s18+$0x0] =	vst.idx.msk $0xffff, v8  }
0x3c: {  	v9 =	vadd.s32 s21, v4;
	v8 =	vld [tilespmem:s22+$0x0];
	_ =	sdelay $0x4  }
0x3d: {  	[tilespmem:v9+s18+$0x0] =	vst.idx.msk $0xffff, v8  }
0x3e: {  	v9 =	vadd.s32 s21, v5;
	v8 =	vld [tilespmem:s22+$0x10];
	_ =	sdelay $0x4  }
0x3f: {  	[tilespmem:v9+s18+$0x0] =	vst.idx.msk $0xffff, v8  }
0x40: {  	v9 =	vadd.s32 s21, v6;
	v8 =	vld [tilespmem:s22+$0x20];
	_ =	sdelay $0x4  }
0x41: {  	[tilespmem:v9+s18+$0x0] =	vst.idx.msk $0xffff, v8  }
0x42: {  	v9 =	vadd.s32 s21, v7;
	s21 =	smov.u32 s23;
	v8 =	vld [tilespmem:s22+$0x30];
	_ =	sdelay $0x1  }
.Ltmp1:
0x43: {  	(pc) =	sbr.rel @p0 .LBB2_4-.Ltmp1, $3  }
0x44: {  	_ =	sdelay $0x1  }
0x45: {  	s22 =	sadd.s32 $0x80, s22;
	[tilespmem:v9+s18+$0x0] =	vst.idx.msk $0xffff, v8  }
0x46: {  	s23 =	sadd.s32 $0x1, s23;
	v9 =	vadd.s32 s21, v0;
	v8 =	vld [tilespmem:s22+$0xFFFFFFC0]  }
0x47: {  	_ =	sdelay $0x3  }
0x48: {  	[tilespmem:v9+s18+$0x0] =	vst.idx.msk $0xffff, v8  }
0x49: {  	v57 =	vadd.s32 s21, v1;
	v8 =	vld [tilespmem:s22+$0xFFFFFFD0];
	_ =	sdelay $0x4  }
0x4a: {  	[tilespmem:v57+s18+$0x0] =	vst.idx.msk $0xffff, v8  }
0x4b: {  	v58 =	vadd.s32 s21, v2;
	v8 =	vld [tilespmem:s22+$0xFFFFFFE0];
	_ =	sdelay $0x4  }
0x4c: {  	[tilespmem:v58+s18+$0x0] =	vst.idx.msk $0xffff, v8  }
0x4d: {  	v59 =	vadd.s32 s21, v3;
	v8 =	vld [tilespmem:s22+$0xFFFFFFF0];
	_ =	sdelay $0x4  }
0x4e: {  	[tilespmem:v59+s18+$0x0] =	vst.idx.msk $0xffff, v8  }
0x4f: {  	v60 =	vadd.s32 s21, v4;
	v8 =	vld [tilespmem:s22+$0x0];
	_ =	sdelay $0x4  }
0x50: {  	[tilespmem:v60+s18+$0x0] =	vst.idx.msk $0xffff, v8  }
0x51: {  	v61 =	vadd.s32 s21, v5;
	v8 =	vld [tilespmem:s22+$0x10];
	_ =	sdelay $0x4  }
0x52: {  	[tilespmem:v61+s18+$0x0] =	vst.idx.msk $0xffff, v8  }
0x53: {  	v62 =	vadd.s32 s21, v6;
	v8 =	vld [tilespmem:s22+$0x20];
	_ =	sdelay $0x4  }
0x54: {  	[tilespmem:v62+s18+$0x0] =	vst.idx.msk $0xffff, v8  }
0x55: {  	v63 =	vadd.s32 s21, v7;
	v8 =	vld [tilespmem:s22+$0x30];
	_ =	sdelay $0x4  }
0x56: {  	[tilespmem:v63+s18+$0x0] =	vst.idx.msk $0xffff, v8  }
0x57: {  	_ =	swait.ge [sflag:s17], $0x7D00  }
0x58: {  	[sflag:s17] =	ssyncset.done $0x0  }
0x59: {  	s21 =	simm.s32 $0x0;
	s22 =	simm.s32 $0xDB20;
	[sflag:s17] =	ssyncadd.s32 $0xFFFF8300  }
.LBB2_6:
0x5a: {  	s23 =	sshra.s32 s21, $0x2  }
0x5b: {  	v8 =	vld [tilespmem:s23+$0xC100];
	_ =	sdelay $0x4  }
0x5c: {  	v8 =	vshll.u32 v8, $0x7  }
0x5d: {  	v8 =	vshra.s32 v8, $0x2  }
0x5e: {  	(v2sf) =	vpush v8, $0x0;
	_ =	sdelay $0x1  }
0x5f: {  	(v2sf) =	vpush v8, $0x1  }
0x60: {  	(v2sf) =	vpush v8, $0x2  }
0x61: {  	(v2sf) =	vpush v8, $0x3  }
0x62: {  	(v2sf) =	vpush v8, $0x4  }
0x63: {  	(v2sf) =	vpush v8, $0x5  }
0x64: {  	(v2sf) =	vpush v8, $0x6;
	_ =	sdelay $0x7  }
0x65: {  	(v2sf) =	vpush v8, $0x7;
	s24 =	spop (v2sf)  }
0x66: {  	v9 =	vld [tilespmem:s24+$0x0]  }
0x67: {  	v10 =	vld [tilespmem:s24+$0x10];
	s31 =	spop (v2sf);
	(v2sf) =	vpush v8, $0x8  }
0x68: {  	v11 =	vld [tilespmem:s31+$0x0];
	s25 =	spop (v2sf);
	(v2sf) =	vpush v8, $0x9  }
0x69: {  	v12 =	vld [tilespmem:s31+$0x10];
	s26 =	spop (v2sf);
	(v2sf) =	vpush v8, $0xA  }
0x6a: {  	v14 =	vld [tilespmem:s25+$0x0];
	s28 =	spop (v2sf);
	(v2sf) =	vpush v8, $0xB  }
0x6b: {  	v16 =	vld [tilespmem:s25+$0x10];
	s29 =	spop (v2sf);
	(v2sf) =	vpush v8, $0xC;
	v13 =	vshll.u32 v9, $0x10;
	v9 =	vadd.f32 $0.0e+00, v9  }
0x6c: {  	v18 =	vld [tilespmem:s26+$0x0];
	v15 =	vshll.u32 v10, $0x10;
	v10 =	vadd.f32 $0.0e+00, v10;
	s30 =	spop (v2sf);
	(v2sf) =	vpush v8, $0xD  }
0x6d: {  	v47 =	vld [tilespmem:s26+$0x10];
	v13 =	vadd.f32 $0.0e+00, v13;
	v15 =	vadd.f32 $0.0e+00, v15  }
0x6e: {  	v62 =	vld [tilespmem:s23+$0xC110];
	v17 =	vshll.u32 v11, $0x10;
	v46 =	vshll.u32 v12, $0x10;
	v9 =	vadd.f32 v11, v9  }
0x6f: {  	v19 =	vld [tilespmem:s28+$0x0];
	v48 =	vshll.u32 v14, $0x10;
	v10 =	vadd.f32 v12, v10;
	v13 =	vadd.f32 v17, v13  }
0x70: {  	v51 =	vld [tilespmem:s28+$0x10];
	v50 =	vshll.u32 v16, $0x10;
	v11 =	vadd.f32 v46, v15;
	v9 =	vadd.f32 v14, v9  }
0x71: {  	v53 =	vld [tilespmem:s29+$0x0];
	v52 =	vshll.u32 v18, $0x10;
	v10 =	vadd.f32 v16, v10;
	v49 =	vadd.f32 v48, v13  }
0x72: {  	v55 =	vld [tilespmem:s29+$0x10];
	v54 =	vshll.u32 v47, $0x10;
	v11 =	vadd.f32 v50, v11;
	v9 =	vadd.f32 v18, v9  }
0x73: {  	v57 =	vld [tilespmem:s30+$0x0];
	v17 =	vshll.u32 v62, $0x7;
	v10 =	vadd.f32 v47, v10;
	v12 =	vadd.f32 v52, v49  }
0x74: {  	v58 =	vld [tilespmem:s30+$0x10];
	s31 =	spop (v2sf);
	v56 =	vshll.u32 v19, $0x10;
	v11 =	vadd.f32 v54, v11;
	v9 =	vadd.f32 v19, v9  }
0x75: {  	v21 =	vld [tilespmem:s31+$0x10];
	v59 =	vshll.u32 v51, $0x10;
	v10 =	vadd.f32 v51, v10;
	v12 =	vadd.f32 v56, v12  }
0x76: {  	v60 =	vld [tilespmem:s31+$0x0];
	v61 =	vshll.u32 v53, $0x10;
	v11 =	vadd.f32 v59, v11;
	v9 =	vadd.f32 v53, v9  }
0x77: {  	v63 =	vshll.u32 v55, $0x10;
	s25 =	spop (v2sf);
	(v2sf) =	vpush v8, $0xE;
	v10 =	vadd.f32 v55, v10  }
0x78: {  	v20 =	vshll.u32 v57, $0x10;
	v12 =	vadd.f32 v61, v12;
	v11 =	vadd.f32 v63, v11;
	v22 =	vld [tilespmem:s25+$0x0]  }
0x79: {  	v23 =	vshll.u32 v58, $0x10;
	v24 =	vld [tilespmem:s25+$0x10];
	s26 =	spop (v2sf);
	(v2sf) =	vpush v8, $0xF;
	v9 =	vadd.f32 v57, v9  }
0x7a: {  	v26 =	vshll.u32 v21, $0x10;
	v10 =	vadd.f32 v58, v10;
	v12 =	vadd.f32 v20, v12  }
0x7b: {  	v8 =	vshll.u32 v60, $0x10;
	v25 =	vld [tilespmem:s26+$0x0];
	v11 =	vadd.f32 v23, v11;
	v9 =	vadd.f32 v60, v9  }
0x7c: {  	v27 =	vld [tilespmem:s26+$0x10];
	v10 =	vadd.f32 v21, v10;
	v12 =	vadd.f32 v8, v12;
	v8 =	vshra.s32 v17, $0x2  }
0x7d: {  	s28 =	spop (v2sf);
	v11 =	vadd.f32 v26, v11;
	(v2sf) =	vpush v8, $0x0  }
0x7e: {  	v29 =	vld [tilespmem:s28+$0x0];
	v28 =	vshll.u32 v22, $0x10;
	v9 =	vadd.f32 v22, v9;
	v10 =	vadd.f32 v24, v10  }
0x7f: {  	v31 =	vld [tilespmem:s28+$0x10];
	s29 =	spop (v2sf);
	v30 =	vshll.u32 v24, $0x10;
	v12 =	vadd.f32 v28, v12;
	(v2sf) =	vpush v8, $0x1  }
0x80: {  	v33 =	vld [tilespmem:s29+$0x0];
	v11 =	vadd.f32 v30, v11;
	v32 =	vshll.u32 v25, $0x10;
	v9 =	vadd.f32 v25, v9  }
0x81: {  	v35 =	vld [tilespmem:s29+$0x10];
	v34 =	vshll.u32 v27, $0x10;
	(v2sf) =	vpush v8, $0x2;
	v10 =	vadd.f32 v27, v10  }
0x82: {  	s30 =	spop (v2sf);
	v12 =	vadd.f32 v32, v12;
	v11 =	vadd.f32 v34, v11  }
0x83: {  	v37 =	vld [tilespmem:s30+$0x0];
	s31 =	spop (v2sf);
	v36 =	vshll.u32 v29, $0x10;
	(v2sf) =	vpush v8, $0x3;
	v9 =	vadd.f32 v29, v9  }
0x84: {  	v39 =	vld [tilespmem:s30+$0x10];
	v38 =	vshll.u32 v31, $0x10;
	v10 =	vadd.f32 v31, v10;
	v12 =	vadd.f32 v36, v12  }
0x85: {  	v41 =	vld [tilespmem:s31+$0x0];
	v40 =	vshll.u32 v33, $0x10;
	v11 =	vadd.f32 v38, v11;
	v9 =	vadd.f32 v33, v9  }
0x86: {  	v43 =	vld [tilespmem:s31+$0x10];
	v42 =	vshll.u32 v35, $0x10;
	v10 =	vadd.f32 v35, v10;
	s25 =	spop (v2sf);
	(v2sf) =	vpush v8, $0x4  }
0x87: {  	v12 =	vadd.f32 v40, v12;
	v11 =	vadd.f32 v42, v11;
	v45 =	vld [tilespmem:s25+$0x0]  }
0x88: {  	v44 =	vshll.u32 v37, $0x10;
	v9 =	vadd.f32 v37, v9;
	v47 =	vld [tilespmem:s25+$0x10];
	s26 =	spop (v2sf);
	(v2sf) =	vpush v8, $0x5  }
0x89: {  	v46 =	vshll.u32 v39, $0x10;
	v10 =	vadd.f32 v39, v10;
	v12 =	vadd.f32 v44, v12  }
0x8a: {  	v48 =	vshll.u32 v41, $0x10;
	v11 =	vadd.f32 v46, v11;
	v9 =	vadd.f32 v41, v9;
	v49 =	vld [tilespmem:s26+$0x0]  }
0x8b: {  	v50 =	vshll.u32 v43, $0x10;
	v10 =	vadd.f32 v43, v10;
	v12 =	vadd.f32 v48, v12;
	v51 =	vld [tilespmem:s26+$0x10]  }
0x8c: {  	v11 =	vadd.f32 v50, v11;
	s28 =	spop (v2sf);
	(v2sf) =	vpush v8, $0x6  }
0x8d: {  	v52 =	vshll.u32 v45, $0x10;
	v9 =	vadd.f32 v45, v9;
	v10 =	vadd.f32 v47, v10;
	v53 =	vld [tilespmem:s28+$0x0]  }
0x8e: {  	v54 =	vshll.u32 v47, $0x10;
	v12 =	vadd.f32 v52, v12;
	v55 =	vld [tilespmem:s28+$0x10];
	s29 =	spop (v2sf);
	(v2sf) =	vpush v8, $0x7  }
0x8f: {  	v11 =	vadd.f32 v54, v11;
	v56 =	vshll.u32 v49, $0x10;
	v57 =	vld [tilespmem:s29+$0x0];
	v9 =	vadd.f32 v49, v9  }
0x90: {  	v58 =	vshll.u32 v51, $0x10;
	v59 =	vld [tilespmem:s29+$0x10];
	s30 =	spop (v2sf);
	(v2sf) =	vpush v8, $0x8;
	v10 =	vadd.f32 v51, v10  }
0x91: {  	v12 =	vadd.f32 v56, v12;
	v11 =	vadd.f32 v58, v11  }
0x92: {  	v61 =	vld [tilespmem:s30+$0x0];
	s31 =	spop (v2sf);
	(v2sf) =	vpush v8, $0x9;
	v60 =	vshll.u32 v53, $0x10;
	v9 =	vadd.f32 v53, v9  }
0x93: {  	v63 =	vld [tilespmem:s30+$0x10];
	v62 =	vshll.u32 v55, $0x10;
	v10 =	vadd.f32 v55, v10;
	v12 =	vadd.f32 v60, v12  }
0x94: {  	v22 =	vld [tilespmem:s31+$0x0];
	v11 =	vadd.f32 v62, v11;
	v21 =	vshll.u32 v57, $0x10;
	v9 =	vadd.f32 v57, v9  }
0x95: {  	v24 =	vld [tilespmem:s31+$0x10];
	v23 =	vshll.u32 v59, $0x10;
	v10 =	vadd.f32 v59, v10;
	v12 =	vadd.f32 v21, v12;
	s25 =	spop (v2sf)  }
0x96: {  	(v2sf) =	vpush v8, $0xA;
	v11 =	vadd.f32 v23, v11;
	v26 =	vld [tilespmem:s25+$0x0]  }
0x97: {  	v25 =	vshll.u32 v61, $0x10;
	v9 =	vadd.f32 v61, v9;
	v28 =	vld [tilespmem:s25+$0x10];
	s26 =	spop (v2sf);
	(v2sf) =	vpush v8, $0xB  }
0x98: {  	v27 =	vshll.u32 v63, $0x10;
	v10 =	vadd.f32 v63, v10;
	v12 =	vadd.f32 v25, v12  }
0x99: {  	v29 =	vshll.u32 v22, $0x10;
	v11 =	vadd.f32 v27, v11;
	v30 =	vld [tilespmem:s26+$0x0];
	v9 =	vadd.f32 v22, v9  }
0x9a: {  	v31 =	vshll.u32 v24, $0x10;
	v32 =	vld [tilespmem:s26+$0x10];
	v10 =	vadd.f32 v24, v10;
	v12 =	vadd.f32 v29, v12  }
0x9b: {  	v38 =	vld [tilespmem:s23+$0xC120];
	v11 =	vadd.f32 v31, v11;
	s28 =	spop (v2sf);
	(v2sf) =	vpush v8, $0xC  }
0x9c: {  	v33 =	vshll.u32 v26, $0x10;
	v9 =	vadd.f32 v26, v9;
	v10 =	vadd.f32 v28, v10;
	v34 =	vld [tilespmem:s28+$0x0]  }
0x9d: {  	v35 =	vshll.u32 v28, $0x10;
	v12 =	vadd.f32 v33, v12;
	v36 =	vld [tilespmem:s28+$0x10];
	s29 =	spop (v2sf);
	(v2sf) =	vpush v8, $0xD  }
0x9e: {  	v11 =	vadd.f32 v35, v11;
	v37 =	vshll.u32 v30, $0x10;
	v39 =	vld [tilespmem:s29+$0x0];
	v9 =	vadd.f32 v30, v9  }
0x9f: {  	v40 =	vshll.u32 v32, $0x10;
	v41 =	vld [tilespmem:s29+$0x10];
	s30 =	spop (v2sf);
	(v2sf) =	vpush v8, $0xE;
	v10 =	vadd.f32 v32, v10  }
0xa0: {  	v12 =	vadd.f32 v37, v12;
	v11 =	vadd.f32 v40, v11  }
0xa1: {  	v43 =	vld [tilespmem:s30+$0x0];
	s31 =	spop (v2sf);
	(v2sf) =	vpush v8, $0xF;
	v8 =	vshll.u32 v38, $0x7;
	v42 =	vshll.u32 v34, $0x10  }
0xa2: {  	v45 =	vld [tilespmem:s30+$0x10];
	v9 =	vadd.f32 v34, v9;
	v44 =	vshll.u32 v36, $0x10;
	v10 =	vadd.f32 v36, v10  }
0xa3: {  	v47 =	vld [tilespmem:s31+$0x0];
	v8 =	vshra.s32 v8, $0x2;
	v12 =	vadd.f32 v42, v12;
	v11 =	vadd.f32 v44, v11  }
0xa4: {  	v49 =	vld [tilespmem:s31+$0x10];
	v46 =	vshll.u32 v39, $0x10;
	v9 =	vadd.f32 v39, v9;
	v10 =	vadd.f32 v41, v10  }
0xa5: {  	v48 =	vshll.u32 v41, $0x10;
	v12 =	vadd.f32 v46, v12;
	s25 =	spop (v2sf);
	(v2sf) =	vpush v8, $0x0  }
0xa6: {  	v50 =	vshll.u32 v43, $0x10;
	v11 =	vadd.f32 v48, v11;
	v51 =	vld [tilespmem:s25+$0x0];
	v9 =	vadd.f32 v43, v9  }
0xa7: {  	v52 =	vshll.u32 v45, $0x10;
	v53 =	vld [tilespmem:s25+$0x10];
	s26 =	spop (v2sf);
	(v2sf) =	vpush v8, $0x1;
	v10 =	vadd.f32 v45, v10  }
0xa8: {  	v12 =	vadd.f32 v50, v12;
	v11 =	vadd.f32 v52, v11  }
0xa9: {  	v54 =	vshll.u32 v47, $0x10;
	v55 =	vld [tilespmem:s26+$0x0];
	v9 =	vadd.f32 v47, v9;
	v10 =	vadd.f32 v49, v10  }
0xaa: {  	v56 =	vshll.u32 v49, $0x10;
	v57 =	vld [tilespmem:s26+$0x10];
	v12 =	vadd.f32 v54, v12;
	s28 =	spop (v2sf);
	(v2sf) =	vpush v8, $0x2  }
0xab: {  	v11 =	vadd.f32 v56, v11;
	v58 =	vshll.u32 v51, $0x10;
	v9 =	vadd.f32 v51, v9;
	v59 =	vld [tilespmem:s28+$0x0]  }
0xac: {  	v60 =	vshll.u32 v53, $0x10;
	v10 =	vadd.f32 v53, v10;
	v12 =	vadd.f32 v58, v12;
	v61 =	vld [tilespmem:s28+$0x10];
	s29 =	spop (v2sf)  }
0xad: {  	(v2sf) =	vpush v8, $0x3;
	v11 =	vadd.f32 v60, v11;
	v63 =	vld [tilespmem:s29+$0x0]  }
0xae: {  	v62 =	vshll.u32 v55, $0x10;
	v9 =	vadd.f32 v55, v9;
	v21 =	vld [tilespmem:s29+$0x10];
	s30 =	spop (v2sf);
	(v2sf) =	vpush v8, $0x4  }
0xaf: {  	v20 =	vshll.u32 v57, $0x10;
	v10 =	vadd.f32 v57, v10;
	v12 =	vadd.f32 v62, v12  }
0xb0: {  	v11 =	vadd.f32 v20, v11;
	v23 =	vld [tilespmem:s30+$0x0];
	s31 =	spop (v2sf);
	(v2sf) =	vpush v8, $0x5;
	v22 =	vshll.u32 v59, $0x10  }
0xb1: {  	v24 =	vld [tilespmem:s30+$0x10];
	v9 =	vadd.f32 v59, v9;
	v25 =	vshll.u32 v61, $0x10;
	v10 =	vadd.f32 v61, v10  }
0xb2: {  	v27 =	vld [tilespmem:s31+$0x0];
	v12 =	vadd.f32 v22, v12;
	v11 =	vadd.f32 v25, v11;
	v26 =	vshll.u32 v63, $0x10  }
0xb3: {  	v29 =	vld [tilespmem:s31+$0x10];
	v28 =	vshll.u32 v21, $0x10;
	v9 =	vadd.f32 v63, v9;
	v10 =	vadd.f32 v21, v10  }
0xb4: {  	v12 =	vadd.f32 v26, v12;
	s25 =	spop (v2sf);
	v11 =	vadd.f32 v28, v11  }
0xb5: {  	v30 =	vshll.u32 v23, $0x10;
	(v2sf) =	vpush v8, $0x6;
	v31 =	vld [tilespmem:s25+$0x0];
	v9 =	vadd.f32 v23, v9  }
0xb6: {  	v32 =	vshll.u32 v24, $0x10;
	v33 =	vld [tilespmem:s25+$0x10];
	s26 =	spop (v2sf);
	v10 =	vadd.f32 v24, v10;
	(v2sf) =	vpush v8, $0x7  }
0xb7: {  	v12 =	vadd.f32 v30, v12;
	v11 =	vadd.f32 v32, v11  }
0xb8: {  	v34 =	vshll.u32 v27, $0x10;
	v35 =	vld [tilespmem:s26+$0x0];
	v9 =	vadd.f32 v27, v9;
	v10 =	vadd.f32 v29, v10  }
0xb9: {  	v36 =	vshll.u32 v29, $0x10;
	v37 =	vld [tilespmem:s26+$0x10];
	v12 =	vadd.f32 v34, v12;
	s28 =	spop (v2sf);
	(v2sf) =	vpush v8, $0x8  }
0xba: {  	v11 =	vadd.f32 v36, v11;
	v38 =	vshll.u32 v31, $0x10;
	v9 =	vadd.f32 v31, v9  }
0xbb: {  	v40 =	vshll.u32 v33, $0x10;
	v10 =	vadd.f32 v33, v10;
	v39 =	vld [tilespmem:s28+$0x0];
	(v2sf) =	vpush v8, $0x9  }
0xbc: {  	v12 =	vadd.f32 v38, v12;
	v41 =	vld [tilespmem:s28+$0x10];
	s29 =	spop (v2sf);
	v11 =	vadd.f32 v40, v11  }
0xbd: {  	v43 =	vld [tilespmem:s29+$0x0];
	(v2sf) =	vpush v8, $0xA;
	v9 =	vadd.f32 v35, v9  }
0xbe: {  	v42 =	vshll.u32 v35, $0x10;
	v45 =	vld [tilespmem:s29+$0x10];
	s30 =	spop (v2sf);
	v10 =	vadd.f32 v37, v10;
	(v2sf) =	vpush v8, $0xB  }
0xbf: {  	v52 =	vld [tilespmem:s23+$0xC130];
	v44 =	vshll.u32 v37, $0x10;
	v12 =	vadd.f32 v42, v12;
	(v2sf) =	vpush v8, $0xC  }
0xc0: {  	v11 =	vadd.f32 v44, v11;
	v47 =	vld [tilespmem:s30+$0x0];
	s31 =	spop (v2sf);
	(v2sf) =	vpush v8, $0xD;
	v46 =	vshll.u32 v39, $0x10  }
0xc1: {  	v49 =	vld [tilespmem:s30+$0x10];
	v9 =	vadd.f32 v39, v9;
	v48 =	vshll.u32 v41, $0x10;
	v10 =	vadd.f32 v41, v10  }
0xc2: {  	v51 =	vld [tilespmem:s31+$0x0];
	v12 =	vadd.f32 v46, v12;
	v11 =	vadd.f32 v48, v11;
	v50 =	vshll.u32 v43, $0x10  }
0xc3: {  	v55 =	vld [tilespmem:s31+$0x10];
	v53 =	vshll.u32 v45, $0x10;
	v9 =	vadd.f32 v43, v9;
	v10 =	vadd.f32 v45, v10  }
0xc4: {  	v13 =	vshll.u32 v52, $0x7;
	v12 =	vadd.f32 v50, v12;
	v11 =	vadd.f32 v53, v11;
	s25 =	spop (v2sf)  }
0xc5: {  	v54 =	vshll.u32 v47, $0x10;
	(v2sf) =	vpush v8, $0xE;
	v57 =	vld [tilespmem:s25+$0x0];
	v9 =	vadd.f32 v47, v9  }
0xc6: {  	v56 =	vshll.u32 v49, $0x10;
	v58 =	vld [tilespmem:s25+$0x10];
	s26 =	spop (v2sf);
	(v2sf) =	vpush v8, $0xF;
	v10 =	vadd.f32 v49, v10  }
0xc7: {  	v13 =	vshra.s32 v13, $0x2;
	v12 =	vadd.f32 v54, v12;
	v11 =	vadd.f32 v56, v11;
	v8 =	vld [tilespmem:s26+$0x0]  }
0xc8: {  	v59 =	vshll.u32 v51, $0x10;
	v60 =	vld [tilespmem:s26+$0x10];
	v9 =	vadd.f32 v51, v9;
	v10 =	vadd.f32 v55, v10;
	s28 =	spop (v2sf)  }
0xc9: {  	v61 =	vshll.u32 v55, $0x10;
	v12 =	vadd.f32 v59, v12;
	(v2sf) =	vpush v13, $0x0;
	v62 =	vld [tilespmem:s28+$0x0]  }
0xca: {  	v11 =	vadd.f32 v61, v11;
	v63 =	vshll.u32 v57, $0x10;
	v9 =	vadd.f32 v57, v9;
	v21 =	vld [tilespmem:s28+$0x10];
	s29 =	spop (v2sf)  }
0xcb: {  	v22 =	vshll.u32 v58, $0x10;
	v10 =	vadd.f32 v58, v10;
	(v2sf) =	vpush v13, $0x1;
	v23 =	vld [tilespmem:s29+$0x0]  }
0xcc: {  	v12 =	vadd.f32 v63, v12;
	v24 =	vshll.u32 v8, $0x10;
	s30 =	spop (v2sf);
	v25 =	vld [tilespmem:s29+$0x10];
	v8 =	vadd.f32 v8, v9  }
0xcd: {  	v11 =	vadd.f32 v22, v11;
	v10 =	vadd.f32 v60, v10;
	v27 =	vld [tilespmem:s30+$0x0]  }
0xce: {  	v26 =	vshll.u32 v60, $0x10;
	v12 =	vadd.f32 v24, v12;
	s31 =	spop (v2sf);
	v30 =	vld [tilespmem:s30+$0x10];
	v8 =	vadd.f32 v62, v8  }
0xcf: {  	v28 =	vadd.f32 v26, v11;
	v32 =	vld [tilespmem:s31+$0x0];
	v29 =	vshll.u32 v62, $0x10;
	v10 =	vadd.f32 v21, v10  }
0xd0: {  	s25 =	spop (v2sf);
	v34 =	vld [tilespmem:s31+$0x10];
	v31 =	vshll.u32 v21, $0x10;
	v11 =	vadd.f32 v29, v12;
	v8 =	vadd.f32 v23, v8  }
0xd1: {  	v36 =	vld [tilespmem:s25+$0x0];
	v9 =	vadd.f32 v31, v28;
	v33 =	vshll.u32 v23, $0x10;
	v10 =	vadd.f32 v25, v10  }
0xd2: {  	s26 =	spop (v2sf);
	v38 =	vld [tilespmem:s25+$0x10];
	v35 =	vshll.u32 v25, $0x10;
	v11 =	vadd.f32 v33, v11;
	v8 =	vadd.f32 v27, v8  }
0xd3: {  	v40 =	vld [tilespmem:s26+$0x0];
	v37 =	vshll.u32 v27, $0x10;
	v9 =	vadd.f32 v35, v9;
	v10 =	vadd.f32 v30, v10  }
0xd4: {  	v42 =	vld [tilespmem:s26+$0x10];
	v39 =	vshll.u32 v30, $0x10;
	s28 =	spop (v2sf);
	v11 =	vadd.f32 v37, v11;
	v8 =	vadd.f32 v32, v8  }
0xd5: {  	v41 =	vshll.u32 v32, $0x10;
	v44 =	vld [tilespmem:s28+$0x0];
	v9 =	vadd.f32 v39, v9;
	v10 =	vadd.f32 v34, v10  }
0xd6: {  	v43 =	vshll.u32 v34, $0x10;
	s29 =	spop (v2sf);
	v46 =	vld [tilespmem:s28+$0x10];
	v11 =	vadd.f32 v41, v11;
	v8 =	vadd.f32 v36, v8  }
0xd7: {  	v45 =	vshll.u32 v36, $0x10;
	v48 =	vld [tilespmem:s29+$0x0];
	v9 =	vadd.f32 v43, v9;
	v10 =	vadd.f32 v38, v10  }
0xd8: {  	v47 =	vshll.u32 v38, $0x10;
	v50 =	vld [tilespmem:s29+$0x10];
	v11 =	vadd.f32 v45, v11;
	s30 =	spop (v2sf);
	v8 =	vadd.f32 v40, v8  }
0xd9: {  	v49 =	vshll.u32 v40, $0x10;
	v9 =	vadd.f32 v47, v9;
	v52 =	vld [tilespmem:s30+$0x0];
	v10 =	vadd.f32 v42, v10  }
0xda: {  	v51 =	vshll.u32 v42, $0x10;
	v54 =	vld [tilespmem:s30+$0x10];
	s31 =	spop (v2sf);
	v11 =	vadd.f32 v49, v11;
	v8 =	vadd.f32 v44, v8  }
0xdb: {  	v53 =	vshll.u32 v44, $0x10;
	v9 =	vadd.f32 v51, v9;
	v56 =	vld [tilespmem:s31+$0x0];
	v10 =	vadd.f32 v46, v10  }
0xdc: {  	v55 =	vshll.u32 v46, $0x10;
	v59 =	vld [tilespmem:s31+$0x10];
	v11 =	vadd.f32 v53, v11;
	v8 =	vadd.f32 v48, v8  }
0xdd: {  	v57 =	vshll.u32 v48, $0x10;
	v9 =	vadd.f32 v55, v9;
	v10 =	vadd.f32 v50, v10  }
0xde: {  	v58 =	vshll.u32 v50, $0x10;
	v11 =	vadd.f32 v57, v11;
	v8 =	vadd.f32 v52, v8  }
0xdf: {  	v9 =	vadd.f32 v58, v9;
	v60 =	vshll.u32 v52, $0x10;
	v10 =	vadd.f32 v54, v10  }
0xe0: {  	p0 =	sne.s32 s21, $0x6534;
	v61 =	vshll.u32 v54, $0x10;
	v11 =	vadd.f32 v60, v11;
	v8 =	vadd.f32 v56, v8  }
.Ltmp2:
0xe1: {  	v62 =	vshll.u32 v56, $0x10;
	v9 =	vadd.f32 v61, v9;
	v10 =	vadd.f32 v59, v10;
	(pc) =	sbr.rel @p0 .LBB2_6-.Ltmp2, $4  }
0xe2: {  	v63 =	vshll.u32 v59, $0x10;
	v11 =	vadd.f32 v62, v11;
	[tilespmem:s22+$0xFFFFFFF0] =	vst v8  }
0xe3: {  	v9 =	vadd.f32 v63, v9;
	[tilespmem:s22+$0x10] =	vst v10  }
0xe4: {  	[tilespmem:s22+$0xFFFFFFE0] =	vst v11  }
0xe5: {  	s21 =	sadd.s32 $0xCC, s21;
	[tilespmem:s22+$0x0] =	vst v9;
	s22 =	sadd.s32 $0x80, s22  }
0xe6: {  	s20 =	sadd.s32 $0x1, s20  }
0xe7: {  	p0 =	sne.s32 s20, s9  }
.Ltmp3:
0xe8: {  	_ = 	snop;
	(pc) =	sbr.rel @p0 .LBB2_1-.Ltmp3, $4  }
0xe9: {  	[hbm4b:s8+s3] =	stream.linear.scatter [tilespmem:s19], [sflag:$0x2], $0x4000, $0x38;
	[tilespmem:$0x122D0] =	vst v63  }
0xea: {  	_ =	swait.ge [sflag:s15], $0x4000  }
0xeb: {  	[sflag:s15] =	ssyncset.done $0x0  }
0xec: {  	[sflag:s15] =	ssyncadd.s32 $0xFFFFC000  }
0xed: {  	_ =	sfence.sel $0x180000  }
0xee: {  	[bflag:$0x0] =	sbarrier.arrive $0xFFFF  }
0xef: {  	p0 =	sne.s32 s1, $0x0;
	_ =	strace $0x90000047  }
0xf0: {  	s0 =	sadd.s32 @!p0 $0x100000, s0;
	[bflag:$0x2] =	sbarrier.arrive $0xFFFF  }
0xf1: {  	[sflag:s0] =	ssyncadd.tile.s32 @!p0 $0x1;
	_ =	shalt  }
.Lfunc_end2:
_tile_overlayer_lowered:
.L_overlay_start_2:
0xf2: {  	(tag) =	ssettag $0x2  }
0xf3: {  	s0 =	rddreg [dreg:$0x0];
	s2 =	stileid.u32  }
0xf4: {  	s1 =	rddreg [dreg:$0x1];
	p0 =	sne.s32 s2, $0x0  }
0xf5: {  	s3 =	rddreg [dreg:$0x2];
	[bflag:$0x3] =	sbarrier.arrive $0xFFFF;
	s2 =	simm.s32 @!p0 $0x1C02  }
0xf6: {  	[timem:s3], [sflag:s2] =	dma.local @!p0 [hbm:s0], s1  }
0xf7: {  	s0 =	simm.s32 @!p0 $0x2  }
0xf8: {  	_ =	swait.ge @!p0 [sflag:s0], s1  }
0xf9: {  	s1 =	ssub.s32 @!p0 $0x0, s1;
	[sflag:s0] =	ssyncset.done @!p0 $0x0  }
0xfa: {  	[sflag:s0] =	ssyncadd.s32 @!p0 s1  }
0xfb: {  	[bflag:$0x3] =	sbarrier.arrive $0xFFFF  }
0xfc: {  	_ =	shalt  }

</sc_bundles>
